<compile_context>
chip_gen: v7x
topology: tpu7x:2x2x1
jax: 0.10.2.dev20260603
libtpu: 0.0.44.dev20260713+nightly
codegen_flags: <defaults>
</compile_context>

<pallas_src>
import dataclasses
import functools

import jax
import jax.numpy as jnp
from jax import lax
from jax.experimental import pallas as pl
from jax.experimental.pallas import tpu as pltpu
from jax.experimental.pallas import tpu_sc as plsc

_N_BITS = 4
_LEVELS = 2 ** _N_BITS

_NC = 2
_NS = 16
_L = 16

_ROWS = 8192
_COLS = 192
_SLC = _COLS // _L

_RPT = _ROWS // _NS
_HALF = _RPT // 2
_SB = 64
_NSB = _HALF // _SB
_CH = 16

_mesh = plsc.VectorSubcoreMesh(core_axis_name="c", subcore_axis_name="s")

_cparams = pltpu.CompilerParams()
if "needs_layout_passes" in pltpu.CompilerParams.__dataclass_fields__:
    _cparams = dataclasses.replace(_cparams, needs_layout_passes=False)


def _recip(x):
    bits = jax.lax.bitcast_convert_type(x, jnp.int32)
    r = jax.lax.bitcast_convert_type(jnp.int32(0x7EF311C3) - bits, jnp.float32)
    for _ in range(4):
        r = r * (2.0 - x * r)
    return r


_dnums = lax.GatherDimensionNumbers(
    offset_dims=(), collapsed_slice_dims=(0,), start_index_map=(0,))


def _take16(table, idx):
    return lax.gather(table, idx[:, None], _dnums, slice_sizes=(1,),
                      mode=lax.GatherScatterMode.PROMISE_IN_BOUNDS)


def _tree(op, vals):
    while len(vals) > 1:
        vals = [op(vals[i], vals[i + 1]) for i in range(0, len(vals) - 1, 2)] + (
            [vals[-1]] if len(vals) % 2 else [])
    return vals[0]


def _reduce_rows(buf, nrows, mn0, mx0):
    @pl.loop(0, nrows, init_carry=(mn0, mx0), unroll=1)
    def result(r, carry):
        mn, mx = carry
        vs = [buf.at[r, pl.ds(c * _L, _L)][...] for c in range(_SLC)]
        mn = jnp.minimum(mn, _tree(jnp.minimum, vs))
        mx = jnp.maximum(mx, _tree(jnp.maximum, vs))
        return mn, mx
    return result


@functools.partial(
    pl.kernel,
    mesh=_mesh,
    out_type=jax.ShapeDtypeStruct((_ROWS, _COLS), jnp.float32),
    scratch_types=[
        pltpu.VMEM((_HALF, _COLS), jnp.float32),
        pltpu.VMEM((_SB, _COLS), jnp.float32),
        pltpu.VMEM((_SB, _COLS), jnp.float32),
        pltpu.VMEM((1, 128), jnp.float32),
        pltpu.VMEM((_NS, 128), jnp.float32),
        pltpu.VMEM_SHARED((_NS, 128), jnp.float32),
        pltpu.SemaphoreType.DMA,
        pltpu.SemaphoreType.DMA,
        pltpu.SemaphoreType.DMA,
        pltpu.SemaphoreType.DMA,
    ],
    compiler_params=_cparams,
)
def _sc_kernel(x_hbm, out_hbm, data, sb0, sb1, mm_loc, gath, shared,
               sem_a, sem_b0, sem_b1, sem_o):
    cid = lax.axis_index("c")
    sid = lax.axis_index("s")
    row0 = sid * _RPT
    mine0 = row0 + cid * _HALF
    oth0 = row0 + (1 - cid) * _HALF

    cp_mine = pltpu.async_copy(x_hbm.at[pl.ds(mine0, _HALF)], data, sem_a)
    sbufs = (sb0, sb1)
    ssems = (sem_b0, sem_b1)
    stream = [pltpu.async_copy(x_hbm.at[pl.ds(oth0, _SB)], sb0, sem_b0),
              pltpu.async_copy(x_hbm.at[pl.ds(oth0 + _SB, _SB)], sb1, sem_b1)]

    inf = jnp.full((_L,), jnp.inf, jnp.float32)
    mn, mx = inf, -inf

    for blk in range(_NSB):
        stream[blk].wait()
        mn, mx = _reduce_rows(sbufs[blk % 2], _SB, mn, mx)
        if blk + 2 < _NSB:
            stream.append(pltpu.async_copy(
                x_hbm.at[pl.ds(oth0 + (blk + 2) * _SB, _SB)],
                sbufs[blk % 2], ssems[blk % 2]))

    cp_mine.wait()
    mn, mx = _reduce_rows(data, _HALF, mn, mx)

    mm_loc.at[0, pl.ds(0, _L)][...] = mn
    mm_loc.at[0, pl.ds(_L, _L)][...] = mx
    pltpu.sync_copy(mm_loc, shared.at[pl.ds(sid, 1)])
    plsc.subcore_barrier()
    pltpu.sync_copy(shared, gath)
    mnv = _tree(jnp.minimum,
                [gath.at[w, pl.ds(0, _L)][...] for w in range(_NS)])
    mxv = _tree(jnp.maximum,
                [gath.at[w, pl.ds(_L, _L)][...] for w in range(_NS)])

    lanes = lax.iota(jnp.int32, _L)
    for sh in (1, 2, 4, 8):
        perm = jnp.bitwise_xor(lanes, sh)
        mnv = jnp.minimum(mnv, _take16(mnv, perm))
        mxv = jnp.maximum(mxv, _take16(mxv, perm))
    xmin, xmax = mnv, mxv

    rng = xmax - xmin
    step = rng * (1.0 / _LEVELS)
    inv_step = _LEVELS * _recip(jnp.where(rng > 0, rng, 1.0))
    base = xmin + step * 0.5

    for _ in range(2):
        inv_step = jnp.where(rng * inv_step >= _LEVELS,
                             inv_step * (1.0 - 2.0 ** -22), inv_step)

    thr = base + lax.iota(jnp.int32, _L).astype(jnp.float32) * step

    @pl.loop(0, _HALF // _CH)
    def _(chunk):
        lo = chunk * _CH

        @pl.loop(0, _CH)
        def _(r):
            row = lo + r
            for c in range(_SLC):
                v = data.at[row, pl.ds(c * _L, _L)][...]
                idx = ((v - xmin) * inv_step).astype(jnp.int32)
                q = _take16(thr, idx)
                data.at[row, pl.ds(c * _L, _L)][...] = q

        pltpu.async_copy(
            data.at[pl.ds(lo, _CH)],
            out_hbm.at[pl.ds(mine0 + lo, _CH)], sem_o)

    for _ in range(_HALF // _CH):
        pltpu.make_async_copy(
            data.at[pl.ds(0, _CH)],
            out_hbm.at[pl.ds(mine0, _CH)], sem_o).wait()


def kernel(x):
    b, ch, h, w = x.shape
    xv = x.transpose(0, 2, 3, 1).reshape(_ROWS, _COLS)
    out = _sc_kernel(xv)
    return out.reshape(b, h, w, ch).transpose(0, 3, 1, 2)

# --- scband reference (transcript-rebuilt; emitter-appended) ---
"""Pipeline reference for scband-quantization-modifier-51719996178490 (READ-ONLY COPY).

The authoritative reference and input builder live on the scoring server;
editing this copy changes nothing except your own understanding.
"""

import jax, jax.numpy as jnp
import numpy as np

N_BITS = 4

def quantize(x, n_bits):
    batch_size = x.shape[0]
    x_flat = x.reshape(batch_size, -1)
    xmin = jnp.min(x)
    xmax = jnp.max(x)
    levels = 2 ** n_bits
    thr = (xmax - xmin) * jnp.arange(levels + 1, dtype=x.dtype) / levels + xmin
    thr = (thr[:-1] + thr[1:]) / 2.0
    diffs = jnp.abs(x_flat[:, :, None] - thr[None, None, :])
    closest_indices = jnp.argmin(diffs, axis=-1)
    quantized_x = jnp.take(thr, closest_indices.reshape(-1), axis=0)
    return quantized_x.reshape(x.shape)

def setup_inputs(seed: int = 0) -> dict:
    key = jax.random.key(seed)
    x = jax.random.normal(key, (8, 192, 32, 32), dtype=jnp.float32)
    return {"x": x}

def reference(x):
    # QuantizationModifier.forward with two_way=False -> ForwardQuantize.apply(x, n_bits)
    return quantize(x, N_BITS)

if __name__ == "__main__":
    import jax
    _d = setup_inputs()
    print(jax.jit(kernel)(*tuple(_d.values())))

</pallas_src>

<mosaic_0001>
#map = affine_map<(d0, d1) -> (0, 0)>
module attributes {stable_mosaic.version = 14 : i64} {
  func.func @_sc_kernel(%arg0: i32, %arg1: i32, %arg2: memref<8192x192xf32, #tpu.memory_space<hbm>>, %arg3: memref<8192x192xf32, #tpu.memory_space<hbm>>, %arg4: memref<256x192xf32, #tpu.memory_space<vmem>>, %arg5: memref<64x192xf32, #tpu.memory_space<vmem>>, %arg6: memref<64x192xf32, #tpu.memory_space<vmem>>, %arg7: memref<1x128xf32, #tpu.memory_space<vmem>>, %arg8: memref<16x128xf32, #tpu.memory_space<vmem>>, %arg9: memref<16x128xf32, #tpu.memory_space<vmem_shared>>, %arg10: memref<!tpu.dma_semaphore, #tpu.memory_space<semaphore_mem>>, %arg11: memref<!tpu.dma_semaphore, #tpu.memory_space<semaphore_mem>>, %arg12: memref<!tpu.dma_semaphore, #tpu.memory_space<semaphore_mem>>, %arg13: memref<!tpu.dma_semaphore, #tpu.memory_space<semaphore_mem>>) attributes {dimension_semantics = [#tpu.dimension_semantics<core_parallel>, #tpu.dimension_semantics<subcore_parallel>], iteration_bounds = array<i64: 2, 16>, scalar_prefetch = 0 : i64, scratch_operands = 10 : i64, tpu.core_type = #tpu.core_type<sc_vector_subcore>, window_params = [{transform_indices = #map}, {transform_indices = #map}]} {
    %mul3A = arith.constant 512 : i32
    %mul3A_0 = arith.muli %arg1, %mul3A : i32
    %mul3A_1 = arith.constant 256 : i32
    %mul3A_2 = arith.muli %arg0, %mul3A_1 : i32
    %add3A = arith.addi %mul3A_0, %mul3A_2 : i32
    %sub3A = arith.constant 1 : i32
    %sub3A_3 = arith.subi %sub3A, %arg0 : i32
    %mul3A_4 = arith.constant 256 : i32
    %mul3A_5 = arith.muli %sub3A_3, %mul3A_4 : i32
    %add3A_6 = arith.addi %mul3A_0, %mul3A_5 : i32
    %dma_start3A = arith.constant 0 : i32
    %dma_start3A_7 = tpu.memref_slice %arg2[%add3A, %dma_start3A] : memref<8192x192xf32, #tpu.memory_space<hbm>> -> memref<256x192xf32, #tpu.memory_space<hbm>>
    %dma_start3A_8 = arith.constant 0 : i32
    %dma_start3A_9 = tpu.memref_slice %arg2[%add3A, %dma_start3A_8] : memref<8192x192xf32, #tpu.memory_space<hbm>> -> memref<256x192xf32, #tpu.memory_space<hbm>>
    tpu.enqueue_dma source(%dma_start3A_9 : memref<256x192xf32, #tpu.memory_space<hbm>>) target(%arg4 : memref<256x192xf32, #tpu.memory_space<vmem>>) target_semaphore(%arg10 : memref<!tpu.dma_semaphore, #tpu.memory_space<semaphore_mem>>)
    %dma_start3A_10 = arith.constant 0 : i32
    %dma_start3A_11 = tpu.memref_slice %arg2[%add3A_6, %dma_start3A_10] : memref<8192x192xf32, #tpu.memory_space<hbm>> -> memref<64x192xf32, #tpu.memory_space<hbm>>
    %dma_start3A_12 = arith.constant 0 : i32
    %dma_start3A_13 = tpu.memref_slice %arg2[%add3A_6, %dma_start3A_12] : memref<8192x192xf32, #tpu.memory_space<hbm>> -> memref<64x192xf32, #tpu.memory_space<hbm>>
    tpu.enqueue_dma source(%dma_start3A_13 : memref<64x192xf32, #tpu.memory_space<hbm>>) target(%arg5 : memref<64x192xf32, #tpu.memory_space<vmem>>) target_semaphore(%arg11 : memref<!tpu.dma_semaphore, #tpu.memory_space<semaphore_mem>>)
    %add3A_14 = arith.constant 64 : i32
    %add3A_15 = arith.addi %add3A_6, %add3A_14 : i32
    %dma_start3A_16 = arith.constant 0 : i32
    %dma_start3A_17 = tpu.memref_slice %arg2[%add3A_15, %dma_start3A_16] : memref<8192x192xf32, #tpu.memory_space<hbm>> -> memref<64x192xf32, #tpu.memory_space<hbm>>
    %dma_start3A_18 = arith.constant 0 : i32
    %dma_start3A_19 = tpu.memref_slice %arg2[%add3A_15, %dma_start3A_18] : memref<8192x192xf32, #tpu.memory_space<hbm>> -> memref<64x192xf32, #tpu.memory_space<hbm>>
    tpu.enqueue_dma source(%dma_start3A_19 : memref<64x192xf32, #tpu.memory_space<hbm>>) target(%arg6 : memref<64x192xf32, #tpu.memory_space<vmem>>) target_semaphore(%arg12 : memref<!tpu.dma_semaphore, #tpu.memory_space<semaphore_mem>>)
    %broadcast_in_dim3A = arith.constant 0x7F800000 : f32
    %broadcast_in_dim3A_20 = vector.broadcast %broadcast_in_dim3A : f32 to vector<16xf32>
    %neg3A = arith.constant 0.000000e+00 : f32
    %neg3A_21 = vector.broadcast %neg3A : f32 to vector<16xf32>
    %neg3A_22 = arith.subf %neg3A_21, %broadcast_in_dim3A_20 : vector<16xf32>
    %dma_wait3A = arith.constant 0 : i32
    %dma_wait3A_23 = tpu.memref_slice %arg2[%add3A_6, %dma_wait3A] : memref<8192x192xf32, #tpu.memory_space<hbm>> -> memref<64x192xf32, #tpu.memory_space<hbm>>
    %dma_wait3A_24 = arith.constant 0 : i32
    %dma_wait3A_25 = tpu.memref_slice %arg2[%add3A_6, %dma_wait3A_24] : memref<8192x192xf32, #tpu.memory_space<hbm>> -> memref<64x192xf32, #tpu.memory_space<hbm>>
    tpu.wait_dma2 semaphore(%arg11 : memref<!tpu.dma_semaphore, #tpu.memory_space<semaphore_mem>>) src(%dma_wait3A_25 : memref<64x192xf32, #tpu.memory_space<hbm>>) dst(%arg5 : memref<64x192xf32, #tpu.memory_space<vmem>>)
    %scan3A = arith.constant 0 : i32
    %scan3A_26 = arith.constant 64 : i32
    %scan3A_27 = arith.addi %scan3A, %scan3A_26 : i32
    %scan3A_28 = arith.constant 1 : i32
    %scan3A_29:2 = scf.for %scan3A_508 = %scan3A to %scan3A_27 step %scan3A_28 iter_args(%scan3A_509 = %broadcast_in_dim3A_20, %scan3A_510 = %neg3A_22) -> (vector<16xf32>, vector<16xf32>)  : i32 {
      %mul3A_511 = arith.constant 1 : i32
      %mul3A_512 = arith.muli %scan3A_508, %mul3A_511 : i32
      %add3A_513 = arith.constant 0 : i32
      %add3A_514 = arith.addi %add3A_513, %mul3A_512 : i32
      %get3A_515 = arith.index_cast %add3A_514 : i32 to index
      %get3A_516 = arith.constant 0 : index
      %get3A_517 = tpu.vector_load %arg5[%get3A_515, %get3A_516] {strides = array<i32>} : memref<64x192xf32, #tpu.memory_space<vmem>>, vector<16xf32>,
      %get3A_518 = arith.index_cast %add3A_514 : i32 to index
      %get3A_519 = arith.constant 16 : index
      %get3A_520 = tpu.vector_load %arg5[%get3A_518, %get3A_519] {strides = array<i32>} : memref<64x192xf32, #tpu.memory_space<vmem>>, vector<16xf32>,
      %get3A_521 = arith.index_cast %add3A_514 : i32 to index
      %get3A_522 = arith.constant 32 : index
      %get3A_523 = tpu.vector_load %arg5[%get3A_521, %get3A_522] {strides = array<i32>} : memref<64x192xf32, #tpu.memory_space<vmem>>, vector<16xf32>,
      %get3A_524 = arith.index_cast %add3A_514 : i32 to index
      %get3A_525 = arith.constant 48 : index
      %get3A_526 = tpu.vector_load %arg5[%get3A_524, %get3A_525] {strides = array<i32>} : memref<64x192xf32, #tpu.memory_space<vmem>>, vector<16xf32>,
      %get3A_527 = arith.index_cast %add3A_514 : i32 to index
      %get3A_528 = arith.constant 64 : index
      %get3A_529 = tpu.vector_load %arg5[%get3A_527, %get3A_528] {strides = array<i32>} : memref<64x192xf32, #tpu.memory_space<vmem>>, vector<16xf32>,
      %get3A_530 = arith.index_cast %add3A_514 : i32 to index
      %get3A_531 = arith.constant 80 : index
      %get3A_532 = tpu.vector_load %arg5[%get3A_530, %get3A_531] {strides = array<i32>} : memref<64x192xf32, #tpu.memory_space<vmem>>, vector<16xf32>,
      %get3A_533 = arith.index_cast %add3A_514 : i32 to index
      %get3A_534 = arith.constant 96 : index
      %get3A_535 = tpu.vector_load %arg5[%get3A_533, %get3A_534] {strides = array<i32>} : memref<64x192xf32, #tpu.memory_space<vmem>>, vector<16xf32>,
      %get3A_536 = arith.index_cast %add3A_514 : i32 to index
      %get3A_537 = arith.constant 112 : index
      %get3A_538 = tpu.vector_load %arg5[%get3A_536, %get3A_537] {strides = array<i32>} : memref<64x192xf32, #tpu.memory_space<vmem>>, vector<16xf32>,
      %get3A_539 = arith.index_cast %add3A_514 : i32 to index
      %get3A_540 = arith.constant 128 : index
      %get3A_541 = tpu.vector_load %arg5[%get3A_539, %get3A_540] {strides = array<i32>} : memref<64x192xf32, #tpu.memory_space<vmem>>, vector<16xf32>,
      %get3A_542 = arith.index_cast %add3A_514 : i32 to index
      %get3A_543 = arith.constant 144 : index
      %get3A_544 = tpu.vector_load %arg5[%get3A_542, %get3A_543] {strides = array<i32>} : memref<64x192xf32, #tpu.memory_space<vmem>>, vector<16xf32>,
      %get3A_545 = arith.index_cast %add3A_514 : i32 to index
      %get3A_546 = arith.constant 160 : index
      %get3A_547 = tpu.vector_load %arg5[%get3A_545, %get3A_546] {strides = array<i32>} : memref<64x192xf32, #tpu.memory_space<vmem>>, vector<16xf32>,
      %get3A_548 = arith.index_cast %add3A_514 : i32 to index
      %get3A_549 = arith.constant 176 : index
      %get3A_550 = tpu.vector_load %arg5[%get3A_548, %get3A_549] {strides = array<i32>} : memref<64x192xf32, #tpu.memory_space<vmem>>, vector<16xf32>,
      %min3A_551 = arith.minimumf %get3A_517, %get3A_520 : vector<16xf32>
      %min3A_552 = arith.minimumf %get3A_523, %get3A_526 : vector<16xf32>
      %min3A_553 = arith.minimumf %get3A_529, %get3A_532 : vector<16xf32>
      %min3A_554 = arith.minimumf %get3A_535, %get3A_538 : vector<16xf32>
      %min3A_555 = arith.minimumf %get3A_541, %get3A_544 : vector<16xf32>
      %min3A_556 = arith.minimumf %get3A_547, %get3A_550 : vector<16xf32>
      %min3A_557 = arith.minimumf %min3A_551, %min3A_552 : vector<16xf32>
      %min3A_558 = arith.minimumf %min3A_553, %min3A_554 : vector<16xf32>
      %min3A_559 = arith.minimumf %min3A_555, %min3A_556 : vector<16xf32>
      %min3A_560 = arith.minimumf %min3A_557, %min3A_558 : vector<16xf32>
      %min3A_561 = arith.minimumf %min3A_560, %min3A_559 : vector<16xf32>
      %min3A_562 = arith.minimumf %scan3A_509, %min3A_561 : vector<16xf32>
      %max3A_563 = arith.maximumf %get3A_517, %get3A_520 : vector<16xf32>
      %max3A_564 = arith.maximumf %get3A_523, %get3A_526 : vector<16xf32>
      %max3A_565 = arith.maximumf %get3A_529, %get3A_532 : vector<16xf32>
      %max3A_566 = arith.maximumf %get3A_535, %get3A_538 : vector<16xf32>
      %max3A_567 = arith.maximumf %get3A_541, %get3A_544 : vector<16xf32>
      %max3A_568 = arith.maximumf %get3A_547, %get3A_550 : vector<16xf32>
      %max3A_569 = arith.maximumf %max3A_563, %max3A_564 : vector<16xf32>
      %max3A_570 = arith.maximumf %max3A_565, %max3A_566 : vector<16xf32>
      %max3A_571 = arith.maximumf %max3A_567, %max3A_568 : vector<16xf32>
      %max3A_572 = arith.maximumf %max3A_569, %max3A_570 : vector<16xf32>
      %max3A_573 = arith.maximumf %max3A_572, %max3A_571 : vector<16xf32>
      %max3A_574 = arith.maximumf %scan3A_510, %max3A_573 : vector<16xf32>
      scf.yield %min3A_562, %max3A_574 : vector<16xf32>, vector<16xf32>
    }
    %scan3A_30 = arith.constant 64 : i32
    %add3A_31 = arith.constant 128 : i32
    %add3A_32 = arith.addi %add3A_6, %add3A_31 : i32
    %dma_start3A_33 = arith.constant 0 : i32
    %dma_start3A_34 = tpu.memref_slice %arg2[%add3A_32, %dma_start3A_33] : memref<8192x192xf32, #tpu.memory_space<hbm>> -> memref<64x192xf32, #tpu.memory_space<hbm>>
    %dma_start3A_35 = arith.constant 0 : i32
    %dma_start3A_36 = tpu.memref_slice %arg2[%add3A_32, %dma_start3A_35] : memref<8192x192xf32, #tpu.memory_space<hbm>> -> memref<64x192xf32, #tpu.memory_space<hbm>>
    tpu.enqueue_dma source(%dma_start3A_36 : memref<64x192xf32, #tpu.memory_space<hbm>>) target(%arg5 : memref<64x192xf32, #tpu.memory_space<vmem>>) target_semaphore(%arg11 : memref<!tpu.dma_semaphore, #tpu.memory_space<semaphore_mem>>)
    %dma_wait3A_37 = arith.constant 0 : i32
    %dma_wait3A_38 = tpu.memref_slice %arg2[%add3A_15, %dma_wait3A_37] : memref<8192x192xf32, #tpu.memory_space<hbm>> -> memref<64x192xf32, #tpu.memory_space<hbm>>
    %dma_wait3A_39 = arith.constant 0 : i32
    %dma_wait3A_40 = tpu.memref_slice %arg2[%add3A_15, %dma_wait3A_39] : memref<8192x192xf32, #tpu.memory_space<hbm>> -> memref<64x192xf32, #tpu.memory_space<hbm>>
    tpu.wait_dma2 semaphore(%arg12 : memref<!tpu.dma_semaphore, #tpu.memory_space<semaphore_mem>>) src(%dma_wait3A_40 : memref<64x192xf32, #tpu.memory_space<hbm>>) dst(%arg6 : memref<64x192xf32, #tpu.memory_space<vmem>>)
    %scan3A_41 = arith.constant 0 : i32
    %scan3A_42 = arith.constant 64 : i32
    %scan3A_43 = arith.addi %scan3A_41, %scan3A_42 : i32
    %scan3A_44 = arith.constant 1 : i32
    %scan3A_45:2 = scf.for %scan3A_508 = %scan3A_41 to %scan3A_43 step %scan3A_44 iter_args(%scan3A_509 = %scan3A_29#0, %scan3A_510 = %scan3A_29#1) -> (vector<16xf32>, vector<16xf32>)  : i32 {
      %mul3A_511 = arith.constant 1 : i32
      %mul3A_512 = arith.muli %scan3A_508, %mul3A_511 : i32
      %add3A_513 = arith.constant 0 : i32
      %add3A_514 = arith.addi %add3A_513, %mul3A_512 : i32
      %get3A_515 = arith.index_cast %add3A_514 : i32 to index
      %get3A_516 = arith.constant 0 : index
      %get3A_517 = tpu.vector_load %arg6[%get3A_515, %get3A_516] {strides = array<i32>} : memref<64x192xf32, #tpu.memory_space<vmem>>, vector<16xf32>,
      %get3A_518 = arith.index_cast %add3A_514 : i32 to index
      %get3A_519 = arith.constant 16 : index
      %get3A_520 = tpu.vector_load %arg6[%get3A_518, %get3A_519] {strides = array<i32>} : memref<64x192xf32, #tpu.memory_space<vmem>>, vector<16xf32>,
      %get3A_521 = arith.index_cast %add3A_514 : i32 to index
      %get3A_522 = arith.constant 32 : index
      %get3A_523 = tpu.vector_load %arg6[%get3A_521, %get3A_522] {strides = array<i32>} : memref<64x192xf32, #tpu.memory_space<vmem>>, vector<16xf32>,
      %get3A_524 = arith.index_cast %add3A_514 : i32 to index
      %get3A_525 = arith.constant 48 : index
      %get3A_526 = tpu.vector_load %arg6[%get3A_524, %get3A_525] {strides = array<i32>} : memref<64x192xf32, #tpu.memory_space<vmem>>, vector<16xf32>,
      %get3A_527 = arith.index_cast %add3A_514 : i32 to index
      %get3A_528 = arith.constant 64 : index
      %get3A_529 = tpu.vector_load %arg6[%get3A_527, %get3A_528] {strides = array<i32>} : memref<64x192xf32, #tpu.memory_space<vmem>>, vector<16xf32>,
      %get3A_530 = arith.index_cast %add3A_514 : i32 to index
      %get3A_531 = arith.constant 80 : index
      %get3A_532 = tpu.vector_load %arg6[%get3A_530, %get3A_531] {strides = array<i32>} : memref<64x192xf32, #tpu.memory_space<vmem>>, vector<16xf32>,
      %get3A_533 = arith.index_cast %add3A_514 : i32 to index
      %get3A_534 = arith.constant 96 : index
      %get3A_535 = tpu.vector_load %arg6[%get3A_533, %get3A_534] {strides = array<i32>} : memref<64x192xf32, #tpu.memory_space<vmem>>, vector<16xf32>,
      %get3A_536 = arith.index_cast %add3A_514 : i32 to index
      %get3A_537 = arith.constant 112 : index
      %get3A_538 = tpu.vector_load %arg6[%get3A_536, %get3A_537] {strides = array<i32>} : memref<64x192xf32, #tpu.memory_space<vmem>>, vector<16xf32>,
      %get3A_539 = arith.index_cast %add3A_514 : i32 to index
      %get3A_540 = arith.constant 128 : index
      %get3A_541 = tpu.vector_load %arg6[%get3A_539, %get3A_540] {strides = array<i32>} : memref<64x192xf32, #tpu.memory_space<vmem>>, vector<16xf32>,
      %get3A_542 = arith.index_cast %add3A_514 : i32 to index
      %get3A_543 = arith.constant 144 : index
      %get3A_544 = tpu.vector_load %arg6[%get3A_542, %get3A_543] {strides = array<i32>} : memref<64x192xf32, #tpu.memory_space<vmem>>, vector<16xf32>,
      %get3A_545 = arith.index_cast %add3A_514 : i32 to index
      %get3A_546 = arith.constant 160 : index
      %get3A_547 = tpu.vector_load %arg6[%get3A_545, %get3A_546] {strides = array<i32>} : memref<64x192xf32, #tpu.memory_space<vmem>>, vector<16xf32>,
      %get3A_548 = arith.index_cast %add3A_514 : i32 to index
      %get3A_549 = arith.constant 176 : index
      %get3A_550 = tpu.vector_load %arg6[%get3A_548, %get3A_549] {strides = array<i32>} : memref<64x192xf32, #tpu.memory_space<vmem>>, vector<16xf32>,
      %min3A_551 = arith.minimumf %get3A_517, %get3A_520 : vector<16xf32>
      %min3A_552 = arith.minimumf %get3A_523, %get3A_526 : vector<16xf32>
      %min3A_553 = arith.minimumf %get3A_529, %get3A_532 : vector<16xf32>
      %min3A_554 = arith.minimumf %get3A_535, %get3A_538 : vector<16xf32>
      %min3A_555 = arith.minimumf %get3A_541, %get3A_544 : vector<16xf32>
      %min3A_556 = arith.minimumf %get3A_547, %get3A_550 : vector<16xf32>
      %min3A_557 = arith.minimumf %min3A_551, %min3A_552 : vector<16xf32>
      %min3A_558 = arith.minimumf %min3A_553, %min3A_554 : vector<16xf32>
      %min3A_559 = arith.minimumf %min3A_555, %min3A_556 : vector<16xf32>
      %min3A_560 = arith.minimumf %min3A_557, %min3A_558 : vector<16xf32>
      %min3A_561 = arith.minimumf %min3A_560, %min3A_559 : vector<16xf32>
      %min3A_562 = arith.minimumf %scan3A_509, %min3A_561 : vector<16xf32>
      %max3A_563 = arith.maximumf %get3A_517, %get3A_520 : vector<16xf32>
      %max3A_564 = arith.maximumf %get3A_523, %get3A_526 : vector<16xf32>
      %max3A_565 = arith.maximumf %get3A_529, %get3A_532 : vector<16xf32>
      %max3A_566 = arith.maximumf %get3A_535, %get3A_538 : vector<16xf32>
      %max3A_567 = arith.maximumf %get3A_541, %get3A_544 : vector<16xf32>
      %max3A_568 = arith.maximumf %get3A_547, %get3A_550 : vector<16xf32>
      %max3A_569 = arith.maximumf %max3A_563, %max3A_564 : vector<16xf32>
      %max3A_570 = arith.maximumf %max3A_565, %max3A_566 : vector<16xf32>
      %max3A_571 = arith.maximumf %max3A_567, %max3A_568 : vector<16xf32>
      %max3A_572 = arith.maximumf %max3A_569, %max3A_570 : vector<16xf32>
      %max3A_573 = arith.maximumf %max3A_572, %max3A_571 : vector<16xf32>
      %max3A_574 = arith.maximumf %scan3A_510, %max3A_573 : vector<16xf32>
      scf.yield %min3A_562, %max3A_574 : vector<16xf32>, vector<16xf32>
    }
    %scan3A_46 = arith.constant 64 : i32
    %add3A_47 = arith.constant 192 : i32
    %add3A_48 = arith.addi %add3A_6, %add3A_47 : i32
    %dma_start3A_49 = arith.constant 0 : i32
    %dma_start3A_50 = tpu.memref_slice %arg2[%add3A_48, %dma_start3A_49] : memref<8192x192xf32, #tpu.memory_space<hbm>> -> memref<64x192xf32, #tpu.memory_space<hbm>>
    %dma_start3A_51 = arith.constant 0 : i32
    %dma_start3A_52 = tpu.memref_slice %arg2[%add3A_48, %dma_start3A_51] : memref<8192x192xf32, #tpu.memory_space<hbm>> -> memref<64x192xf32, #tpu.memory_space<hbm>>
    tpu.enqueue_dma source(%dma_start3A_52 : memref<64x192xf32, #tpu.memory_space<hbm>>) target(%arg6 : memref<64x192xf32, #tpu.memory_space<vmem>>) target_semaphore(%arg12 : memref<!tpu.dma_semaphore, #tpu.memory_space<semaphore_mem>>)
    %dma_wait3A_53 = arith.constant 0 : i32
    %dma_wait3A_54 = tpu.memref_slice %arg2[%add3A_32, %dma_wait3A_53] : memref<8192x192xf32, #tpu.memory_space<hbm>> -> memref<64x192xf32, #tpu.memory_space<hbm>>
    %dma_wait3A_55 = arith.constant 0 : i32
    %dma_wait3A_56 = tpu.memref_slice %arg2[%add3A_32, %dma_wait3A_55] : memref<8192x192xf32, #tpu.memory_space<hbm>> -> memref<64x192xf32, #tpu.memory_space<hbm>>
    tpu.wait_dma2 semaphore(%arg11 : memref<!tpu.dma_semaphore, #tpu.memory_space<semaphore_mem>>) src(%dma_wait3A_56 : memref<64x192xf32, #tpu.memory_space<hbm>>) dst(%arg5 : memref<64x192xf32, #tpu.memory_space<vmem>>)
    %scan3A_57 = arith.constant 0 : i32
    %scan3A_58 = arith.constant 64 : i32
    %scan3A_59 = arith.addi %scan3A_57, %scan3A_58 : i32
    %scan3A_60 = arith.constant 1 : i32
    %scan3A_61:2 = scf.for %scan3A_508 = %scan3A_57 to %scan3A_59 step %scan3A_60 iter_args(%scan3A_509 = %scan3A_45#0, %scan3A_510 = %scan3A_45#1) -> (vector<16xf32>, vector<16xf32>)  : i32 {
      %mul3A_511 = arith.constant 1 : i32
      %mul3A_512 = arith.muli %scan3A_508, %mul3A_511 : i32
      %add3A_513 = arith.constant 0 : i32
      %add3A_514 = arith.addi %add3A_513, %mul3A_512 : i32
      %get3A_515 = arith.index_cast %add3A_514 : i32 to index
      %get3A_516 = arith.constant 0 : index
      %get3A_517 = tpu.vector_load %arg5[%get3A_515, %get3A_516] {strides = array<i32>} : memref<64x192xf32, #tpu.memory_space<vmem>>, vector<16xf32>,
      %get3A_518 = arith.index_cast %add3A_514 : i32 to index
      %get3A_519 = arith.constant 16 : index
      %get3A_520 = tpu.vector_load %arg5[%get3A_518, %get3A_519] {strides = array<i32>} : memref<64x192xf32, #tpu.memory_space<vmem>>, vector<16xf32>,
      %get3A_521 = arith.index_cast %add3A_514 : i32 to index
      %get3A_522 = arith.constant 32 : index
      %get3A_523 = tpu.vector_load %arg5[%get3A_521, %get3A_522] {strides = array<i32>} : memref<64x192xf32, #tpu.memory_space<vmem>>, vector<16xf32>,
      %get3A_524 = arith.index_cast %add3A_514 : i32 to index
      %get3A_525 = arith.constant 48 : index
      %get3A_526 = tpu.vector_load %arg5[%get3A_524, %get3A_525] {strides = array<i32>} : memref<64x192xf32, #tpu.memory_space<vmem>>, vector<16xf32>,
      %get3A_527 = arith.index_cast %add3A_514 : i32 to index
      %get3A_528 = arith.constant 64 : index
      %get3A_529 = tpu.vector_load %arg5[%get3A_527, %get3A_528] {strides = array<i32>} : memref<64x192xf32, #tpu.memory_space<vmem>>, vector<16xf32>,
      %get3A_530 = arith.index_cast %add3A_514 : i32 to index
      %get3A_531 = arith.constant 80 : index
      %get3A_532 = tpu.vector_load %arg5[%get3A_530, %get3A_531] {strides = array<i32>} : memref<64x192xf32, #tpu.memory_space<vmem>>, vector<16xf32>,
      %get3A_533 = arith.index_cast %add3A_514 : i32 to index
      %get3A_534 = arith.constant 96 : index
      %get3A_535 = tpu.vector_load %arg5[%get3A_533, %get3A_534] {strides = array<i32>} : memref<64x192xf32, #tpu.memory_space<vmem>>, vector<16xf32>,
      %get3A_536 = arith.index_cast %add3A_514 : i32 to index
      %get3A_537 = arith.constant 112 : index
      %get3A_538 = tpu.vector_load %arg5[%get3A_536, %get3A_537] {strides = array<i32>} : memref<64x192xf32, #tpu.memory_space<vmem>>, vector<16xf32>,
      %get3A_539 = arith.index_cast %add3A_514 : i32 to index
      %get3A_540 = arith.constant 128 : index
      %get3A_541 = tpu.vector_load %arg5[%get3A_539, %get3A_540] {strides = array<i32>} : memref<64x192xf32, #tpu.memory_space<vmem>>, vector<16xf32>,
      %get3A_542 = arith.index_cast %add3A_514 : i32 to index
      %get3A_543 = arith.constant 144 : index
      %get3A_544 = tpu.vector_load %arg5[%get3A_542, %get3A_543] {strides = array<i32>} : memref<64x192xf32, #tpu.memory_space<vmem>>, vector<16xf32>,
      %get3A_545 = arith.index_cast %add3A_514 : i32 to index
      %get3A_546 = arith.constant 160 : index
      %get3A_547 = tpu.vector_load %arg5[%get3A_545, %get3A_546] {strides = array<i32>} : memref<64x192xf32, #tpu.memory_space<vmem>>, vector<16xf32>,
      %get3A_548 = arith.index_cast %add3A_514 : i32 to index
      %get3A_549 = arith.constant 176 : index
      %get3A_550 = tpu.vector_load %arg5[%get3A_548, %get3A_549] {strides = array<i32>} : memref<64x192xf32, #tpu.memory_space<vmem>>, vector<16xf32>,
      %min3A_551 = arith.minimumf %get3A_517, %get3A_520 : vector<16xf32>
      %min3A_552 = arith.minimumf %get3A_523, %get3A_526 : vector<16xf32>
      %min3A_553 = arith.minimumf %get3A_529, %get3A_532 : vector<16xf32>
      %min3A_554 = arith.minimumf %get3A_535, %get3A_538 : vector<16xf32>
      %min3A_555 = arith.minimumf %get3A_541, %get3A_544 : vector<16xf32>
      %min3A_556 = arith.minimumf %get3A_547, %get3A_550 : vector<16xf32>
      %min3A_557 = arith.minimumf %min3A_551, %min3A_552 : vector<16xf32>
      %min3A_558 = arith.minimumf %min3A_553, %min3A_554 : vector<16xf32>
      %min3A_559 = arith.minimumf %min3A_555, %min3A_556 : vector<16xf32>
      %min3A_560 = arith.minimumf %min3A_557, %min3A_558 : vector<16xf32>
      %min3A_561 = arith.minimumf %min3A_560, %min3A_559 : vector<16xf32>
      %min3A_562 = arith.minimumf %scan3A_509, %min3A_561 : vector<16xf32>
      %max3A_563 = arith.maximumf %get3A_517, %get3A_520 : vector<16xf32>
      %max3A_564 = arith.maximumf %get3A_523, %get3A_526 : vector<16xf32>
      %max3A_565 = arith.maximumf %get3A_529, %get3A_532 : vector<16xf32>
      %max3A_566 = arith.maximumf %get3A_535, %get3A_538 : vector<16xf32>
      %max3A_567 = arith.maximumf %get3A_541, %get3A_544 : vector<16xf32>
      %max3A_568 = arith.maximumf %get3A_547, %get3A_550 : vector<16xf32>
      %max3A_569 = arith.maximumf %max3A_563, %max3A_564 : vector<16xf32>
      %max3A_570 = arith.maximumf %max3A_565, %max3A_566 : vector<16xf32>
      %max3A_571 = arith.maximumf %max3A_567, %max3A_568 : vector<16xf32>
      %max3A_572 = arith.maximumf %max3A_569, %max3A_570 : vector<16xf32>
      %max3A_573 = arith.maximumf %max3A_572, %max3A_571 : vector<16xf32>
      %max3A_574 = arith.maximumf %scan3A_510, %max3A_573 : vector<16xf32>
      scf.yield %min3A_562, %max3A_574 : vector<16xf32>, vector<16xf32>
    }
    %scan3A_62 = arith.constant 64 : i32
    %dma_wait3A_63 = arith.constant 0 : i32
    %dma_wait3A_64 = tpu.memref_slice %arg2[%add3A_48, %dma_wait3A_63] : memref<8192x192xf32, #tpu.memory_space<hbm>> -> memref<64x192xf32, #tpu.memory_space<hbm>>
    %dma_wait3A_65 = arith.constant 0 : i32
    %dma_wait3A_66 = tpu.memref_slice %arg2[%add3A_48, %dma_wait3A_65] : memref<8192x192xf32, #tpu.memory_space<hbm>> -> memref<64x192xf32, #tpu.memory_space<hbm>>
    tpu.wait_dma2 semaphore(%arg12 : memref<!tpu.dma_semaphore, #tpu.memory_space<semaphore_mem>>) src(%dma_wait3A_66 : memref<64x192xf32, #tpu.memory_space<hbm>>) dst(%arg6 : memref<64x192xf32, #tpu.memory_space<vmem>>)
    %scan3A_67 = arith.constant 0 : i32
    %scan3A_68 = arith.constant 64 : i32
    %scan3A_69 = arith.addi %scan3A_67, %scan3A_68 : i32
    %scan3A_70 = arith.constant 1 : i32
    %scan3A_71:2 = scf.for %scan3A_508 = %scan3A_67 to %scan3A_69 step %scan3A_70 iter_args(%scan3A_509 = %scan3A_61#0, %scan3A_510 = %scan3A_61#1) -> (vector<16xf32>, vector<16xf32>)  : i32 {
      %mul3A_511 = arith.constant 1 : i32
      %mul3A_512 = arith.muli %scan3A_508, %mul3A_511 : i32
      %add3A_513 = arith.constant 0 : i32
      %add3A_514 = arith.addi %add3A_513, %mul3A_512 : i32
      %get3A_515 = arith.index_cast %add3A_514 : i32 to index
      %get3A_516 = arith.constant 0 : index
      %get3A_517 = tpu.vector_load %arg6[%get3A_515, %get3A_516] {strides = array<i32>} : memref<64x192xf32, #tpu.memory_space<vmem>>, vector<16xf32>,
      %get3A_518 = arith.index_cast %add3A_514 : i32 to index
      %get3A_519 = arith.constant 16 : index
      %get3A_520 = tpu.vector_load %arg6[%get3A_518, %get3A_519] {strides = array<i32>} : memref<64x192xf32, #tpu.memory_space<vmem>>, vector<16xf32>,
      %get3A_521 = arith.index_cast %add3A_514 : i32 to index
      %get3A_522 = arith.constant 32 : index
      %get3A_523 = tpu.vector_load %arg6[%get3A_521, %get3A_522] {strides = array<i32>} : memref<64x192xf32, #tpu.memory_space<vmem>>, vector<16xf32>,
      %get3A_524 = arith.index_cast %add3A_514 : i32 to index
      %get3A_525 = arith.constant 48 : index
      %get3A_526 = tpu.vector_load %arg6[%get3A_524, %get3A_525] {strides = array<i32>} : memref<64x192xf32, #tpu.memory_space<vmem>>, vector<16xf32>,
      %get3A_527 = arith.index_cast %add3A_514 : i32 to index
      %get3A_528 = arith.constant 64 : index
      %get3A_529 = tpu.vector_load %arg6[%get3A_527, %get3A_528] {strides = array<i32>} : memref<64x192xf32, #tpu.memory_space<vmem>>, vector<16xf32>,
      %get3A_530 = arith.index_cast %add3A_514 : i32 to index
      %get3A_531 = arith.constant 80 : index
      %get3A_532 = tpu.vector_load %arg6[%get3A_530, %get3A_531] {strides = array<i32>} : memref<64x192xf32, #tpu.memory_space<vmem>>, vector<16xf32>,
      %get3A_533 = arith.index_cast %add3A_514 : i32 to index
      %get3A_534 = arith.constant 96 : index
      %get3A_535 = tpu.vector_load %arg6[%get3A_533, %get3A_534] {strides = array<i32>} : memref<64x192xf32, #tpu.memory_space<vmem>>, vector<16xf32>,
      %get3A_536 = arith.index_cast %add3A_514 : i32 to index
      %get3A_537 = arith.constant 112 : index
      %get3A_538 = tpu.vector_load %arg6[%get3A_536, %get3A_537] {strides = array<i32>} : memref<64x192xf32, #tpu.memory_space<vmem>>, vector<16xf32>,
      %get3A_539 = arith.index_cast %add3A_514 : i32 to index
      %get3A_540 = arith.constant 128 : index
      %get3A_541 = tpu.vector_load %arg6[%get3A_539, %get3A_540] {strides = array<i32>} : memref<64x192xf32, #tpu.memory_space<vmem>>, vector<16xf32>,
      %get3A_542 = arith.index_cast %add3A_514 : i32 to index
      %get3A_543 = arith.constant 144 : index
      %get3A_544 = tpu.vector_load %arg6[%get3A_542, %get3A_543] {strides = array<i32>} : memref<64x192xf32, #tpu.memory_space<vmem>>, vector<16xf32>,
      %get3A_545 = arith.index_cast %add3A_514 : i32 to index
      %get3A_546 = arith.constant 160 : index
      %get3A_547 = tpu.vector_load %arg6[%get3A_545, %get3A_546] {strides = array<i32>} : memref<64x192xf32, #tpu.memory_space<vmem>>, vector<16xf32>,
      %get3A_548 = arith.index_cast %add3A_514 : i32 to index
      %get3A_549 = arith.constant 176 : index
      %get3A_550 = tpu.vector_load %arg6[%get3A_548, %get3A_549] {strides = array<i32>} : memref<64x192xf32, #tpu.memory_space<vmem>>, vector<16xf32>,
      %min3A_551 = arith.minimumf %get3A_517, %get3A_520 : vector<16xf32>
      %min3A_552 = arith.minimumf %get3A_523, %get3A_526 : vector<16xf32>
      %min3A_553 = arith.minimumf %get3A_529, %get3A_532 : vector<16xf32>
      %min3A_554 = arith.minimumf %get3A_535, %get3A_538 : vector<16xf32>
      %min3A_555 = arith.minimumf %get3A_541, %get3A_544 : vector<16xf32>
      %min3A_556 = arith.minimumf %get3A_547, %get3A_550 : vector<16xf32>
      %min3A_557 = arith.minimumf %min3A_551, %min3A_552 : vector<16xf32>
      %min3A_558 = arith.minimumf %min3A_553, %min3A_554 : vector<16xf32>
      %min3A_559 = arith.minimumf %min3A_555, %min3A_556 : vector<16xf32>
      %min3A_560 = arith.minimumf %min3A_557, %min3A_558 : vector<16xf32>
      %min3A_561 = arith.minimumf %min3A_560, %min3A_559 : vector<16xf32>
      %min3A_562 = arith.minimumf %scan3A_509, %min3A_561 : vector<16xf32>
      %max3A_563 = arith.maximumf %get3A_517, %get3A_520 : vector<16xf32>
      %max3A_564 = arith.maximumf %get3A_523, %get3A_526 : vector<16xf32>
      %max3A_565 = arith.maximumf %get3A_529, %get3A_532 : vector<16xf32>
      %max3A_566 = arith.maximumf %get3A_535, %get3A_538 : vector<16xf32>
      %max3A_567 = arith.maximumf %get3A_541, %get3A_544 : vector<16xf32>
      %max3A_568 = arith.maximumf %get3A_547, %get3A_550 : vector<16xf32>
      %max3A_569 = arith.maximumf %max3A_563, %max3A_564 : vector<16xf32>
      %max3A_570 = arith.maximumf %max3A_565, %max3A_566 : vector<16xf32>
      %max3A_571 = arith.maximumf %max3A_567, %max3A_568 : vector<16xf32>
      %max3A_572 = arith.maximumf %max3A_569, %max3A_570 : vector<16xf32>
      %max3A_573 = arith.maximumf %max3A_572, %max3A_571 : vector<16xf32>
      %max3A_574 = arith.maximumf %scan3A_510, %max3A_573 : vector<16xf32>
      scf.yield %min3A_562, %max3A_574 : vector<16xf32>, vector<16xf32>
    }
    %scan3A_72 = arith.constant 64 : i32
    %dma_wait3A_73 = arith.constant 0 : i32
    %dma_wait3A_74 = tpu.memref_slice %arg2[%add3A, %dma_wait3A_73] : memref<8192x192xf32, #tpu.memory_space<hbm>> -> memref<256x192xf32, #tpu.memory_space<hbm>>
    %dma_wait3A_75 = arith.constant 0 : i32
    %dma_wait3A_76 = tpu.memref_slice %arg2[%add3A, %dma_wait3A_75] : memref<8192x192xf32, #tpu.memory_space<hbm>> -> memref<256x192xf32, #tpu.memory_space<hbm>>
    tpu.wait_dma2 semaphore(%arg10 : memref<!tpu.dma_semaphore, #tpu.memory_space<semaphore_mem>>) src(%dma_wait3A_76 : memref<256x192xf32, #tpu.memory_space<hbm>>) dst(%arg4 : memref<256x192xf32, #tpu.memory_space<vmem>>)
    %scan3A_77 = arith.constant 0 : i32
    %scan3A_78 = arith.constant 256 : i32
    %scan3A_79 = arith.addi %scan3A_77, %scan3A_78 : i32
    %scan3A_80 = arith.constant 1 : i32
    %scan3A_81:2 = scf.for %scan3A_508 = %scan3A_77 to %scan3A_79 step %scan3A_80 iter_args(%scan3A_509 = %scan3A_71#0, %scan3A_510 = %scan3A_71#1) -> (vector<16xf32>, vector<16xf32>)  : i32 {
      %mul3A_511 = arith.constant 1 : i32
      %mul3A_512 = arith.muli %scan3A_508, %mul3A_511 : i32
      %add3A_513 = arith.constant 0 : i32
      %add3A_514 = arith.addi %add3A_513, %mul3A_512 : i32
      %get3A_515 = arith.index_cast %add3A_514 : i32 to index
      %get3A_516 = arith.constant 0 : index
      %get3A_517 = tpu.vector_load %arg4[%get3A_515, %get3A_516] {strides = array<i32>} : memref<256x192xf32, #tpu.memory_space<vmem>>, vector<16xf32>,
      %get3A_518 = arith.index_cast %add3A_514 : i32 to index
      %get3A_519 = arith.constant 16 : index
      %get3A_520 = tpu.vector_load %arg4[%get3A_518, %get3A_519] {strides = array<i32>} : memref<256x192xf32, #tpu.memory_space<vmem>>, vector<16xf32>,
      %get3A_521 = arith.index_cast %add3A_514 : i32 to index
      %get3A_522 = arith.constant 32 : index
      %get3A_523 = tpu.vector_load %arg4[%get3A_521, %get3A_522] {strides = array<i32>} : memref<256x192xf32, #tpu.memory_space<vmem>>, vector<16xf32>,
      %get3A_524 = arith.index_cast %add3A_514 : i32 to index
      %get3A_525 = arith.constant 48 : index
      %get3A_526 = tpu.vector_load %arg4[%get3A_524, %get3A_525] {strides = array<i32>} : memref<256x192xf32, #tpu.memory_space<vmem>>, vector<16xf32>,
      %get3A_527 = arith.index_cast %add3A_514 : i32 to index
      %get3A_528 = arith.constant 64 : index
      %get3A_529 = tpu.vector_load %arg4[%get3A_527, %get3A_528] {strides = array<i32>} : memref<256x192xf32, #tpu.memory_space<vmem>>, vector<16xf32>,
      %get3A_530 = arith.index_cast %add3A_514 : i32 to index
      %get3A_531 = arith.constant 80 : index
      %get3A_532 = tpu.vector_load %arg4[%get3A_530, %get3A_531] {strides = array<i32>} : memref<256x192xf32, #tpu.memory_space<vmem>>, vector<16xf32>,
      %get3A_533 = arith.index_cast %add3A_514 : i32 to index
      %get3A_534 = arith.constant 96 : index
      %get3A_535 = tpu.vector_load %arg4[%get3A_533, %get3A_534] {strides = array<i32>} : memref<256x192xf32, #tpu.memory_space<vmem>>, vector<16xf32>,
      %get3A_536 = arith.index_cast %add3A_514 : i32 to index
      %get3A_537 = arith.constant 112 : index
      %get3A_538 = tpu.vector_load %arg4[%get3A_536, %get3A_537] {strides = array<i32>} : memref<256x192xf32, #tpu.memory_space<vmem>>, vector<16xf32>,
      %get3A_539 = arith.index_cast %add3A_514 : i32 to index
      %get3A_540 = arith.constant 128 : index
      %get3A_541 = tpu.vector_load %arg4[%get3A_539, %get3A_540] {strides = array<i32>} : memref<256x192xf32, #tpu.memory_space<vmem>>, vector<16xf32>,
      %get3A_542 = arith.index_cast %add3A_514 : i32 to index
      %get3A_543 = arith.constant 144 : index
      %get3A_544 = tpu.vector_load %arg4[%get3A_542, %get3A_543] {strides = array<i32>} : memref<256x192xf32, #tpu.memory_space<vmem>>, vector<16xf32>,
      %get3A_545 = arith.index_cast %add3A_514 : i32 to index
      %get3A_546 = arith.constant 160 : index
      %get3A_547 = tpu.vector_load %arg4[%get3A_545, %get3A_546] {strides = array<i32>} : memref<256x192xf32, #tpu.memory_space<vmem>>, vector<16xf32>,
      %get3A_548 = arith.index_cast %add3A_514 : i32 to index
      %get3A_549 = arith.constant 176 : index
      %get3A_550 = tpu.vector_load %arg4[%get3A_548, %get3A_549] {strides = array<i32>} : memref<256x192xf32, #tpu.memory_space<vmem>>, vector<16xf32>,
      %min3A_551 = arith.minimumf %get3A_517, %get3A_520 : vector<16xf32>
      %min3A_552 = arith.minimumf %get3A_523, %get3A_526 : vector<16xf32>
      %min3A_553 = arith.minimumf %get3A_529, %get3A_532 : vector<16xf32>
      %min3A_554 = arith.minimumf %get3A_535, %get3A_538 : vector<16xf32>
      %min3A_555 = arith.minimumf %get3A_541, %get3A_544 : vector<16xf32>
      %min3A_556 = arith.minimumf %get3A_547, %get3A_550 : vector<16xf32>
      %min3A_557 = arith.minimumf %min3A_551, %min3A_552 : vector<16xf32>
      %min3A_558 = arith.minimumf %min3A_553, %min3A_554 : vector<16xf32>
      %min3A_559 = arith.minimumf %min3A_555, %min3A_556 : vector<16xf32>
      %min3A_560 = arith.minimumf %min3A_557, %min3A_558 : vector<16xf32>
      %min3A_561 = arith.minimumf %min3A_560, %min3A_559 : vector<16xf32>
      %min3A_562 = arith.minimumf %scan3A_509, %min3A_561 : vector<16xf32>
      %max3A_563 = arith.maximumf %get3A_517, %get3A_520 : vector<16xf32>
      %max3A_564 = arith.maximumf %get3A_523, %get3A_526 : vector<16xf32>
      %max3A_565 = arith.maximumf %get3A_529, %get3A_532 : vector<16xf32>
      %max3A_566 = arith.maximumf %get3A_535, %get3A_538 : vector<16xf32>
      %max3A_567 = arith.maximumf %get3A_541, %get3A_544 : vector<16xf32>
      %max3A_568 = arith.maximumf %get3A_547, %get3A_550 : vector<16xf32>
      %max3A_569 = arith.maximumf %max3A_563, %max3A_564 : vector<16xf32>
      %max3A_570 = arith.maximumf %max3A_565, %max3A_566 : vector<16xf32>
      %max3A_571 = arith.maximumf %max3A_567, %max3A_568 : vector<16xf32>
      %max3A_572 = arith.maximumf %max3A_569, %max3A_570 : vector<16xf32>
      %max3A_573 = arith.maximumf %max3A_572, %max3A_571 : vector<16xf32>
      %max3A_574 = arith.maximumf %scan3A_510, %max3A_573 : vector<16xf32>
      scf.yield %min3A_562, %max3A_574 : vector<16xf32>, vector<16xf32>
    }
    %scan3A_82 = arith.constant 256 : i32
    %swap3A = arith.constant 0 : i32
    %swap3A_83 = arith.index_cast %swap3A : i32 to index
    %swap3A_84 = arith.constant 0 : index
    %swap3A_85 = tpu.vector_load %arg7[%swap3A_83, %swap3A_84] {strides = array<i32>} : memref<1x128xf32, #tpu.memory_space<vmem>>, vector<16xf32>,
    tpu.vector_store %arg7[%swap3A_83, %swap3A_84], %scan3A_81#0 {strides = array<i32>} : memref<1x128xf32, #tpu.memory_space<vmem>>, vector<16xf32>,
    %swap3A_86 = arith.constant 0 : i32
    %swap3A_87 = arith.index_cast %swap3A_86 : i32 to index
    %swap3A_88 = arith.constant 16 : index
    %swap3A_89 = tpu.vector_load %arg7[%swap3A_87, %swap3A_88] {strides = array<i32>} : memref<1x128xf32, #tpu.memory_space<vmem>>, vector<16xf32>,
    tpu.vector_store %arg7[%swap3A_87, %swap3A_88], %scan3A_81#1 {strides = array<i32>} : memref<1x128xf32, #tpu.memory_space<vmem>>, vector<16xf32>,
    "tpu.region"() ({
      %run_scoped3A = tpu.sem_alloc : memref<!tpu.dma_semaphore, #tpu.memory_space<semaphore_mem>>
      %dma_start3A_508 = arith.constant 0 : i32
      %dma_start3A_509 = tpu.memref_slice %arg9[%arg1, %dma_start3A_508] : memref<16x128xf32, #tpu.memory_space<vmem_shared>> -> memref<1x128xf32, #tpu.memory_space<vmem_shared>>
      %dma_start3A_510 = arith.constant 0 : i32
      %dma_start3A_511 = tpu.memref_slice %arg9[%arg1, %dma_start3A_510] : memref<16x128xf32, #tpu.memory_space<vmem_shared>> -> memref<1x128xf32, #tpu.memory_space<vmem_shared>>
      tpu.enqueue_dma source(%arg7 : memref<1x128xf32, #tpu.memory_space<vmem>>) target(%dma_start3A_511 : memref<1x128xf32, #tpu.memory_space<vmem_shared>>) target_semaphore(%run_scoped3A : memref<!tpu.dma_semaphore, #tpu.memory_space<semaphore_mem>>)
      %dma_wait3A_512 = arith.constant 0 : i32
      %dma_wait3A_513 = tpu.memref_slice %arg9[%arg1, %dma_wait3A_512] : memref<16x128xf32, #tpu.memory_space<vmem_shared>> -> memref<1x128xf32, #tpu.memory_space<vmem_shared>>
      %dma_wait3A_514 = arith.constant 0 : i32
      %dma_wait3A_515 = tpu.memref_slice %arg9[%arg1, %dma_wait3A_514] : memref<16x128xf32, #tpu.memory_space<vmem_shared>> -> memref<1x128xf32, #tpu.memory_space<vmem_shared>>
      tpu.wait_dma2 semaphore(%run_scoped3A : memref<!tpu.dma_semaphore, #tpu.memory_space<semaphore_mem>>) src(%arg7 : memref<1x128xf32, #tpu.memory_space<vmem>>) dst(%dma_wait3A_515 : memref<1x128xf32, #tpu.memory_space<vmem_shared>>)
      tpu.yield
    }) : () -> ()
    %barrier3A = arith.constant 0 : index
    tpu.barrier barrier_id(%barrier3A)
    "tpu.region"() ({
      %run_scoped3A = tpu.sem_alloc : memref<!tpu.dma_semaphore, #tpu.memory_space<semaphore_mem>>
      tpu.enqueue_dma source(%arg9 : memref<16x128xf32, #tpu.memory_space<vmem_shared>>) target(%arg8 : memref<16x128xf32, #tpu.memory_space<vmem>>) target_semaphore(%run_scoped3A : memref<!tpu.dma_semaphore, #tpu.memory_space<semaphore_mem>>)
      tpu.wait_dma2 semaphore(%run_scoped3A : memref<!tpu.dma_semaphore, #tpu.memory_space<semaphore_mem>>) src(%arg9 : memref<16x128xf32, #tpu.memory_space<vmem_shared>>) dst(%arg8 : memref<16x128xf32, #tpu.memory_space<vmem>>)
      tpu.yield
    }) : () -> ()
    %get3A = arith.constant 0 : i32
    %get3A_90 = arith.index_cast %get3A : i32 to index
    %get3A_91 = arith.constant 0 : index
    %get3A_92 = tpu.vector_load %arg8[%get3A_90, %get3A_91] {strides = array<i32>} : memref<16x128xf32, #tpu.memory_space<vmem>>, vector<16xf32>,
    %get3A_93 = arith.constant 1 : i32
    %get3A_94 = arith.index_cast %get3A_93 : i32 to index
    %get3A_95 = arith.constant 0 : index
    %get3A_96 = tpu.vector_load %arg8[%get3A_94, %get3A_95] {strides = array<i32>} : memref<16x128xf32, #tpu.memory_space<vmem>>, vector<16xf32>,
    %get3A_97 = arith.constant 2 : i32
    %get3A_98 = arith.index_cast %get3A_97 : i32 to index
    %get3A_99 = arith.constant 0 : index
    %get3A_100 = tpu.vector_load %arg8[%get3A_98, %get3A_99] {strides = array<i32>} : memref<16x128xf32, #tpu.memory_space<vmem>>, vector<16xf32>,
    %get3A_101 = arith.constant 3 : i32
    %get3A_102 = arith.index_cast %get3A_101 : i32 to index
    %get3A_103 = arith.constant 0 : index
    %get3A_104 = tpu.vector_load %arg8[%get3A_102, %get3A_103] {strides = array<i32>} : memref<16x128xf32, #tpu.memory_space<vmem>>, vector<16xf32>,
    %get3A_105 = arith.constant 4 : i32
    %get3A_106 = arith.index_cast %get3A_105 : i32 to index
    %get3A_107 = arith.constant 0 : index
    %get3A_108 = tpu.vector_load %arg8[%get3A_106, %get3A_107] {strides = array<i32>} : memref<16x128xf32, #tpu.memory_space<vmem>>, vector<16xf32>,
    %get3A_109 = arith.constant 5 : i32
    %get3A_110 = arith.index_cast %get3A_109 : i32 to index
    %get3A_111 = arith.constant 0 : index
    %get3A_112 = tpu.vector_load %arg8[%get3A_110, %get3A_111] {strides = array<i32>} : memref<16x128xf32, #tpu.memory_space<vmem>>, vector<16xf32>,
    %get3A_113 = arith.constant 6 : i32
    %get3A_114 = arith.index_cast %get3A_113 : i32 to index
    %get3A_115 = arith.constant 0 : index
    %get3A_116 = tpu.vector_load %arg8[%get3A_114, %get3A_115] {strides = array<i32>} : memref<16x128xf32, #tpu.memory_space<vmem>>, vector<16xf32>,
    %get3A_117 = arith.constant 7 : i32
    %get3A_118 = arith.index_cast %get3A_117 : i32 to index
    %get3A_119 = arith.constant 0 : index
    %get3A_120 = tpu.vector_load %arg8[%get3A_118, %get3A_119] {strides = array<i32>} : memref<16x128xf32, #tpu.memory_space<vmem>>, vector<16xf32>,
    %get3A_121 = arith.constant 8 : i32
    %get3A_122 = arith.index_cast %get3A_121 : i32 to index
    %get3A_123 = arith.constant 0 : index
    %get3A_124 = tpu.vector_load %arg8[%get3A_122, %get3A_123] {strides = array<i32>} : memref<16x128xf32, #tpu.memory_space<vmem>>, vector<16xf32>,
    %get3A_125 = arith.constant 9 : i32
    %get3A_126 = arith.index_cast %get3A_125 : i32 to index
    %get3A_127 = arith.constant 0 : index
    %get3A_128 = tpu.vector_load %arg8[%get3A_126, %get3A_127] {strides = array<i32>} : memref<16x128xf32, #tpu.memory_space<vmem>>, vector<16xf32>,
    %get3A_129 = arith.constant 10 : i32
    %get3A_130 = arith.index_cast %get3A_129 : i32 to index
    %get3A_131 = arith.constant 0 : index
    %get3A_132 = tpu.vector_load %arg8[%get3A_130, %get3A_131] {strides = array<i32>} : memref<16x128xf32, #tpu.memory_space<vmem>>, vector<16xf32>,
    %get3A_133 = arith.constant 11 : i32
    %get3A_134 = arith.index_cast %get3A_133 : i32 to index
    %get3A_135 = arith.constant 0 : index
    %get3A_136 = tpu.vector_load %arg8[%get3A_134, %get3A_135] {strides = array<i32>} : memref<16x128xf32, #tpu.memory_space<vmem>>, vector<16xf32>,
    %get3A_137 = arith.constant 12 : i32
    %get3A_138 = arith.index_cast %get3A_137 : i32 to index
    %get3A_139 = arith.constant 0 : index
    %get3A_140 = tpu.vector_load %arg8[%get3A_138, %get3A_139] {strides = array<i32>} : memref<16x128xf32, #tpu.memory_space<vmem>>, vector<16xf32>,
    %get3A_141 = arith.constant 13 : i32
    %get3A_142 = arith.index_cast %get3A_141 : i32 to index
    %get3A_143 = arith.constant 0 : index
    %get3A_144 = tpu.vector_load %arg8[%get3A_142, %get3A_143] {strides = array<i32>} : memref<16x128xf32, #tpu.memory_space<vmem>>, vector<16xf32>,
    %get3A_145 = arith.constant 14 : i32
    %get3A_146 = arith.index_cast %get3A_145 : i32 to index
    %get3A_147 = arith.constant 0 : index
    %get3A_148 = tpu.vector_load %arg8[%get3A_146, %get3A_147] {strides = array<i32>} : memref<16x128xf32, #tpu.memory_space<vmem>>, vector<16xf32>,
    %get3A_149 = arith.constant 15 : i32
    %get3A_150 = arith.index_cast %get3A_149 : i32 to index
    %get3A_151 = arith.constant 0 : index
    %get3A_152 = tpu.vector_load %arg8[%get3A_150, %get3A_151] {strides = array<i32>} : memref<16x128xf32, #tpu.memory_space<vmem>>, vector<16xf32>,
    %min3A = arith.minimumf %get3A_92, %get3A_96 : vector<16xf32>
    %min3A_153 = arith.minimumf %get3A_100, %get3A_104 : vector<16xf32>
    %min3A_154 = arith.minimumf %get3A_108, %get3A_112 : vector<16xf32>
    %min3A_155 = arith.minimumf %get3A_116, %get3A_120 : vector<16xf32>
    %min3A_156 = arith.minimumf %get3A_124, %get3A_128 : vector<16xf32>
    %min3A_157 = arith.minimumf %get3A_132, %get3A_136 : vector<16xf32>
    %min3A_158 = arith.minimumf %get3A_140, %get3A_144 : vector<16xf32>
    %min3A_159 = arith.minimumf %get3A_148, %get3A_152 : vector<16xf32>
    %min3A_160 = arith.minimumf %min3A, %min3A_153 : vector<16xf32>
    %min3A_161 = arith.minimumf %min3A_154, %min3A_155 : vector<16xf32>
    %min3A_162 = arith.minimumf %min3A_156, %min3A_157 : vector<16xf32>
    %min3A_163 = arith.minimumf %min3A_158, %min3A_159 : vector<16xf32>
    %min3A_164 = arith.minimumf %min3A_160, %min3A_161 : vector<16xf32>
    %min3A_165 = arith.minimumf %min3A_162, %min3A_163 : vector<16xf32>
    %min3A_166 = arith.minimumf %min3A_164, %min3A_165 : vector<16xf32>
    %get3A_167 = arith.constant 0 : i32
    %get3A_168 = arith.index_cast %get3A_167 : i32 to index
    %get3A_169 = arith.constant 16 : index
    %get3A_170 = tpu.vector_load %arg8[%get3A_168, %get3A_169] {strides = array<i32>} : memref<16x128xf32, #tpu.memory_space<vmem>>, vector<16xf32>,
    %get3A_171 = arith.constant 1 : i32
    %get3A_172 = arith.index_cast %get3A_171 : i32 to index
    %get3A_173 = arith.constant 16 : index
    %get3A_174 = tpu.vector_load %arg8[%get3A_172, %get3A_173] {strides = array<i32>} : memref<16x128xf32, #tpu.memory_space<vmem>>, vector<16xf32>,
    %get3A_175 = arith.constant 2 : i32
    %get3A_176 = arith.index_cast %get3A_175 : i32 to index
    %get3A_177 = arith.constant 16 : index
    %get3A_178 = tpu.vector_load %arg8[%get3A_176, %get3A_177] {strides = array<i32>} : memref<16x128xf32, #tpu.memory_space<vmem>>, vector<16xf32>,
    %get3A_179 = arith.constant 3 : i32
    %get3A_180 = arith.index_cast %get3A_179 : i32 to index
    %get3A_181 = arith.constant 16 : index
    %get3A_182 = tpu.vector_load %arg8[%get3A_180, %get3A_181] {strides = array<i32>} : memref<16x128xf32, #tpu.memory_space<vmem>>, vector<16xf32>,
    %get3A_183 = arith.constant 4 : i32
    %get3A_184 = arith.index_cast %get3A_183 : i32 to index
    %get3A_185 = arith.constant 16 : index
    %get3A_186 = tpu.vector_load %arg8[%get3A_184, %get3A_185] {strides = array<i32>} : memref<16x128xf32, #tpu.memory_space<vmem>>, vector<16xf32>,
    %get3A_187 = arith.constant 5 : i32
    %get3A_188 = arith.index_cast %get3A_187 : i32 to index
    %get3A_189 = arith.constant 16 : index
    %get3A_190 = tpu.vector_load %arg8[%get3A_188, %get3A_189] {strides = array<i32>} : memref<16x128xf32, #tpu.memory_space<vmem>>, vector<16xf32>,
    %get3A_191 = arith.constant 6 : i32
    %get3A_192 = arith.index_cast %get3A_191 : i32 to index
    %get3A_193 = arith.constant 16 : index
    %get3A_194 = tpu.vector_load %arg8[%get3A_192, %get3A_193] {strides = array<i32>} : memref<16x128xf32, #tpu.memory_space<vmem>>, vector<16xf32>,
    %get3A_195 = arith.constant 7 : i32
    %get3A_196 = arith.index_cast %get3A_195 : i32 to index
    %get3A_197 = arith.constant 16 : index
    %get3A_198 = tpu.vector_load %arg8[%get3A_196, %get3A_197] {strides = array<i32>} : memref<16x128xf32, #tpu.memory_space<vmem>>, vector<16xf32>,
    %get3A_199 = arith.constant 8 : i32
    %get3A_200 = arith.index_cast %get3A_199 : i32 to index
    %get3A_201 = arith.constant 16 : index
    %get3A_202 = tpu.vector_load %arg8[%get3A_200, %get3A_201] {strides = array<i32>} : memref<16x128xf32, #tpu.memory_space<vmem>>, vector<16xf32>,
    %get3A_203 = arith.constant 9 : i32
    %get3A_204 = arith.index_cast %get3A_203 : i32 to index
    %get3A_205 = arith.constant 16 : index
    %get3A_206 = tpu.vector_load %arg8[%get3A_204, %get3A_205] {strides = array<i32>} : memref<16x128xf32, #tpu.memory_space<vmem>>, vector<16xf32>,
    %get3A_207 = arith.constant 10 : i32
    %get3A_208 = arith.index_cast %get3A_207 : i32 to index
    %get3A_209 = arith.constant 16 : index
    %get3A_210 = tpu.vector_load %arg8[%get3A_208, %get3A_209] {strides = array<i32>} : memref<16x128xf32, #tpu.memory_space<vmem>>, vector<16xf32>,
    %get3A_211 = arith.constant 11 : i32
    %get3A_212 = arith.index_cast %get3A_211 : i32 to index
    %get3A_213 = arith.constant 16 : index
    %get3A_214 = tpu.vector_load %arg8[%get3A_212, %get3A_213] {strides = array<i32>} : memref<16x128xf32, #tpu.memory_space<vmem>>, vector<16xf32>,
    %get3A_215 = arith.constant 12 : i32
    %get3A_216 = arith.index_cast %get3A_215 : i32 to index
    %get3A_217 = arith.constant 16 : index
    %get3A_218 = tpu.vector_load %arg8[%get3A_216, %get3A_217] {strides = array<i32>} : memref<16x128xf32, #tpu.memory_space<vmem>>, vector<16xf32>,
    %get3A_219 = arith.constant 13 : i32
    %get3A_220 = arith.index_cast %get3A_219 : i32 to index
    %get3A_221 = arith.constant 16 : index
    %get3A_222 = tpu.vector_load %arg8[%get3A_220, %get3A_221] {strides = array<i32>} : memref<16x128xf32, #tpu.memory_space<vmem>>, vector<16xf32>,
    %get3A_223 = arith.constant 14 : i32
    %get3A_224 = arith.index_cast %get3A_223 : i32 to index
    %get3A_225 = arith.constant 16 : index
    %get3A_226 = tpu.vector_load %arg8[%get3A_224, %get3A_225] {strides = array<i32>} : memref<16x128xf32, #tpu.memory_space<vmem>>, vector<16xf32>,
    %get3A_227 = arith.constant 15 : i32
    %get3A_228 = arith.index_cast %get3A_227 : i32 to index
    %get3A_229 = arith.constant 16 : index
    %get3A_230 = tpu.vector_load %arg8[%get3A_228, %get3A_229] {strides = array<i32>} : memref<16x128xf32, #tpu.memory_space<vmem>>, vector<16xf32>,
    %max3A = arith.maximumf %get3A_170, %get3A_174 : vector<16xf32>
    %max3A_231 = arith.maximumf %get3A_178, %get3A_182 : vector<16xf32>
    %max3A_232 = arith.maximumf %get3A_186, %get3A_190 : vector<16xf32>
    %max3A_233 = arith.maximumf %get3A_194, %get3A_198 : vector<16xf32>
    %max3A_234 = arith.maximumf %get3A_202, %get3A_206 : vector<16xf32>
    %max3A_235 = arith.maximumf %get3A_210, %get3A_214 : vector<16xf32>
    %max3A_236 = arith.maximumf %get3A_218, %get3A_222 : vector<16xf32>
    %max3A_237 = arith.maximumf %get3A_226, %get3A_230 : vector<16xf32>
    %max3A_238 = arith.maximumf %max3A, %max3A_231 : vector<16xf32>
    %max3A_239 = arith.maximumf %max3A_232, %max3A_233 : vector<16xf32>
    %max3A_240 = arith.maximumf %max3A_234, %max3A_235 : vector<16xf32>
    %max3A_241 = arith.maximumf %max3A_236, %max3A_237 : vector<16xf32>
    %max3A_242 = arith.maximumf %max3A_238, %max3A_239 : vector<16xf32>
    %max3A_243 = arith.maximumf %max3A_240, %max3A_241 : vector<16xf32>
    %max3A_244 = arith.maximumf %max3A_242, %max3A_243 : vector<16xf32>
    %iota3A = tpu.iota {dimensions = array<i32: 0>} : vector<16xi32>
    %xor3A = arith.constant 1 : i32
    %xor3A_245 = vector.broadcast %xor3A : i32 to vector<16xi32>
    %xor3A_246 = arith.xori %iota3A, %xor3A_245 : vector<16xi32>
    %broadcast_in_dim3A_247 = vector.shape_cast %xor3A_246 : vector<16xi32> to vector<16x1xi32>
    %gather3A = vector.shape_cast %broadcast_in_dim3A_247 : vector<16x1xi32> to vector<16xi32>
    %gather3A_248 = tpu.dynamic_gather %min3A_166[%gather3A] in [0] : vector<16xf32>, vector<16xi32> -> vector<16xf32>
    %min3A_249 = arith.minimumf %min3A_166, %gather3A_248 : vector<16xf32>
    %broadcast_in_dim3A_250 = vector.shape_cast %xor3A_246 : vector<16xi32> to vector<16x1xi32>
    %gather3A_251 = vector.shape_cast %broadcast_in_dim3A_250 : vector<16x1xi32> to vector<16xi32>
    %gather3A_252 = tpu.dynamic_gather %max3A_244[%gather3A_251] in [0] : vector<16xf32>, vector<16xi32> -> vector<16xf32>
    %max3A_253 = arith.maximumf %max3A_244, %gather3A_252 : vector<16xf32>
    %xor3A_254 = arith.constant 2 : i32
    %xor3A_255 = vector.broadcast %xor3A_254 : i32 to vector<16xi32>
    %xor3A_256 = arith.xori %iota3A, %xor3A_255 : vector<16xi32>
    %broadcast_in_dim3A_257 = vector.shape_cast %xor3A_256 : vector<16xi32> to vector<16x1xi32>
    %gather3A_258 = vector.shape_cast %broadcast_in_dim3A_257 : vector<16x1xi32> to vector<16xi32>
    %gather3A_259 = tpu.dynamic_gather %min3A_249[%gather3A_258] in [0] : vector<16xf32>, vector<16xi32> -> vector<16xf32>
    %min3A_260 = arith.minimumf %min3A_249, %gather3A_259 : vector<16xf32>
    %broadcast_in_dim3A_261 = vector.shape_cast %xor3A_256 : vector<16xi32> to vector<16x1xi32>
    %gather3A_262 = vector.shape_cast %broadcast_in_dim3A_261 : vector<16x1xi32> to vector<16xi32>
    %gather3A_263 = tpu.dynamic_gather %max3A_253[%gather3A_262] in [0] : vector<16xf32>, vector<16xi32> -> vector<16xf32>
    %max3A_264 = arith.maximumf %max3A_253, %gather3A_263 : vector<16xf32>
    %xor3A_265 = arith.constant 4 : i32
    %xor3A_266 = vector.broadcast %xor3A_265 : i32 to vector<16xi32>
    %xor3A_267 = arith.xori %iota3A, %xor3A_266 : vector<16xi32>
    %broadcast_in_dim3A_268 = vector.shape_cast %xor3A_267 : vector<16xi32> to vector<16x1xi32>
    %gather3A_269 = vector.shape_cast %broadcast_in_dim3A_268 : vector<16x1xi32> to vector<16xi32>
    %gather3A_270 = tpu.dynamic_gather %min3A_260[%gather3A_269] in [0] : vector<16xf32>, vector<16xi32> -> vector<16xf32>
    %min3A_271 = arith.minimumf %min3A_260, %gather3A_270 : vector<16xf32>
    %broadcast_in_dim3A_272 = vector.shape_cast %xor3A_267 : vector<16xi32> to vector<16x1xi32>
    %gather3A_273 = vector.shape_cast %broadcast_in_dim3A_272 : vector<16x1xi32> to vector<16xi32>
    %gather3A_274 = tpu.dynamic_gather %max3A_264[%gather3A_273] in [0] : vector<16xf32>, vector<16xi32> -> vector<16xf32>
    %max3A_275 = arith.maximumf %max3A_264, %gather3A_274 : vector<16xf32>
    %xor3A_276 = arith.constant 8 : i32
    %xor3A_277 = vector.broadcast %xor3A_276 : i32 to vector<16xi32>
    %xor3A_278 = arith.xori %iota3A, %xor3A_277 : vector<16xi32>
    %broadcast_in_dim3A_279 = vector.shape_cast %xor3A_278 : vector<16xi32> to vector<16x1xi32>
    %gather3A_280 = vector.shape_cast %broadcast_in_dim3A_279 : vector<16x1xi32> to vector<16xi32>
    %gather3A_281 = tpu.dynamic_gather %min3A_271[%gather3A_280] in [0] : vector<16xf32>, vector<16xi32> -> vector<16xf32>
    %min3A_282 = arith.minimumf %min3A_271, %gather3A_281 : vector<16xf32>
    %broadcast_in_dim3A_283 = vector.shape_cast %xor3A_278 : vector<16xi32> to vector<16x1xi32>
    %gather3A_284 = vector.shape_cast %broadcast_in_dim3A_283 : vector<16x1xi32> to vector<16xi32>
    %gather3A_285 = tpu.dynamic_gather %max3A_275[%gather3A_284] in [0] : vector<16xf32>, vector<16xi32> -> vector<16xf32>
    %max3A_286 = arith.maximumf %max3A_275, %gather3A_285 : vector<16xf32>
    %sub3A_287 = arith.subf %max3A_286, %min3A_282 : vector<16xf32>
    %mul3A_288 = arith.constant 6.250000e-02 : f32
    %mul3A_289 = vector.broadcast %mul3A_288 : f32 to vector<16xf32>
    %mul3A_290 = arith.mulf %sub3A_287, %mul3A_289 : vector<16xf32>
    %gt3A = arith.constant 0.000000e+00 : f32
    %gt3A_291 = vector.broadcast %gt3A : f32 to vector<16xf32>
    %gt3A_292 = arith.cmpf ogt, %sub3A_287, %gt3A_291 : vector<16xf32>
    %jit3A = arith.constant 1.000000e+00 : f32
    %broadcast_in_dim3A_293 = vector.broadcast %jit3A : f32 to vector<16xf32>
    %select_n3A = arith.select %gt3A_292, %sub3A_287, %broadcast_in_dim3A_293 : vector<16xi1>, vector<16xf32>
    %bitcast_convert_type3A = tpu.bitcast %select_n3A : vector<16xf32> -> vector<16xi32>
    %sub3A_294 = arith.constant 2129859011 : i32
    %sub3A_295 = vector.broadcast %sub3A_294 : i32 to vector<16xi32>
    %sub3A_296 = arith.subi %sub3A_295, %bitcast_convert_type3A : vector<16xi32>
    %bitcast_convert_type3A_297 = tpu.bitcast %sub3A_296 : vector<16xi32> -> vector<16xf32>
    %mul3A_298 = arith.mulf %select_n3A, %bitcast_convert_type3A_297 : vector<16xf32>
    %sub3A_299 = arith.constant 2.000000e+00 : f32
    %sub3A_300 = vector.broadcast %sub3A_299 : f32 to vector<16xf32>
    %sub3A_301 = arith.subf %sub3A_300, %mul3A_298 : vector<16xf32>
    %mul3A_302 = arith.mulf %bitcast_convert_type3A_297, %sub3A_301 : vector<16xf32>
    %mul3A_303 = arith.mulf %select_n3A, %mul3A_302 : vector<16xf32>
    %sub3A_304 = arith.constant 2.000000e+00 : f32
    %sub3A_305 = vector.broadcast %sub3A_304 : f32 to vector<16xf32>
    %sub3A_306 = arith.subf %sub3A_305, %mul3A_303 : vector<16xf32>
    %mul3A_307 = arith.mulf %mul3A_302, %sub3A_306 : vector<16xf32>
    %mul3A_308 = arith.mulf %select_n3A, %mul3A_307 : vector<16xf32>
    %sub3A_309 = arith.constant 2.000000e+00 : f32
    %sub3A_310 = vector.broadcast %sub3A_309 : f32 to vector<16xf32>
    %sub3A_311 = arith.subf %sub3A_310, %mul3A_308 : vector<16xf32>
    %mul3A_312 = arith.mulf %mul3A_307, %sub3A_311 : vector<16xf32>
    %mul3A_313 = arith.mulf %select_n3A, %mul3A_312 : vector<16xf32>
    %sub3A_314 = arith.constant 2.000000e+00 : f32
    %sub3A_315 = vector.broadcast %sub3A_314 : f32 to vector<16xf32>
    %sub3A_316 = arith.subf %sub3A_315, %mul3A_313 : vector<16xf32>
    %mul3A_317 = arith.mulf %mul3A_312, %sub3A_316 : vector<16xf32>
    %mul3A_318 = arith.constant 1.600000e+01 : f32
    %mul3A_319 = vector.broadcast %mul3A_318 : f32 to vector<16xf32>
    %mul3A_320 = arith.mulf %mul3A_319, %mul3A_317 : vector<16xf32>
    %mul3A_321 = arith.constant 5.000000e-01 : f32
    %mul3A_322 = vector.broadcast %mul3A_321 : f32 to vector<16xf32>
    %mul3A_323 = arith.mulf %mul3A_290, %mul3A_322 : vector<16xf32>
    %add3A_324 = arith.addf %min3A_282, %mul3A_323 : vector<16xf32>
    %mul3A_325 = arith.mulf %sub3A_287, %mul3A_320 : vector<16xf32>
    %ge3A = arith.constant 1.600000e+01 : f32
    %ge3A_326 = vector.broadcast %ge3A : f32 to vector<16xf32>
    %ge3A_327 = arith.cmpf oge, %mul3A_325, %ge3A_326 : vector<16xf32>
    %mul3A_328 = arith.constant 0.999999761 : f32
    %mul3A_329 = vector.broadcast %mul3A_328 : f32 to vector<16xf32>
    %mul3A_330 = arith.mulf %mul3A_320, %mul3A_329 : vector<16xf32>
    %select_n3A_331 = arith.select %ge3A_327, %mul3A_330, %mul3A_320 : vector<16xi1>, vector<16xf32>
    %mul3A_332 = arith.mulf %sub3A_287, %select_n3A_331 : vector<16xf32>
    %ge3A_333 = arith.constant 1.600000e+01 : f32
    %ge3A_334 = vector.broadcast %ge3A_333 : f32 to vector<16xf32>
    %ge3A_335 = arith.cmpf oge, %mul3A_332, %ge3A_334 : vector<16xf32>
    %mul3A_336 = arith.constant 0.999999761 : f32
    %mul3A_337 = vector.broadcast %mul3A_336 : f32 to vector<16xf32>
    %mul3A_338 = arith.mulf %select_n3A_331, %mul3A_337 : vector<16xf32>
    %select_n3A_339 = arith.select %ge3A_335, %mul3A_338, %select_n3A_331 : vector<16xi1>, vector<16xf32>
    %iota3A_340 = tpu.iota {dimensions = array<i32: 0>} : vector<16xi32>
    %convert_element_type3A = arith.sitofp %iota3A_340 : vector<16xi32> to vector<16xf32>
    %mul3A_341 = arith.mulf %convert_element_type3A, %mul3A_290 : vector<16xf32>
    %add3A_342 = arith.addf %add3A_324, %mul3A_341 : vector<16xf32>
    %scan3A_343 = arith.constant 0 : i32
    %scan3A_344 = arith.constant 16 : i32
    %scan3A_345 = arith.addi %scan3A_343, %scan3A_344 : i32
    %scan3A_346 = arith.constant 1 : i32
    scf.for %scan3A_508 = %scan3A_343 to %scan3A_345 step %scan3A_346  : i32 {
      %mul3A_509 = arith.constant 1 : i32
      %mul3A_510 = arith.muli %scan3A_508, %mul3A_509 : i32
      %add3A_511 = arith.constant 0 : i32
      %add3A_512 = arith.addi %add3A_511, %mul3A_510 : i32
      %mul3A_513 = arith.constant 16 : i32
      %mul3A_514 = arith.muli %add3A_512, %mul3A_513 : i32
      %scan3A_515 = arith.constant 0 : i32
      %scan3A_516 = arith.constant 16 : i32
      %scan3A_517 = arith.addi %scan3A_515, %scan3A_516 : i32
      %scan3A_518 = arith.constant 1 : i32
      scf.for %scan3A_529 = %scan3A_515 to %scan3A_517 step %scan3A_518  : i32 {
        %mul3A_530 = arith.constant 1 : i32
        %mul3A_531 = arith.muli %scan3A_529, %mul3A_530 : i32
        %add3A_532 = arith.constant 0 : i32
        %add3A_533 = arith.addi %add3A_532, %mul3A_531 : i32
        %add3A_534 = arith.addi %mul3A_514, %add3A_533 : i32
        %get3A_535 = arith.index_cast %add3A_534 : i32 to index
        %get3A_536 = arith.constant 0 : index
        %get3A_537 = tpu.vector_load %arg4[%get3A_535, %get3A_536] {strides = array<i32>} : memref<256x192xf32, #tpu.memory_space<vmem>>, vector<16xf32>,
        %sub3A_538 = arith.subf %get3A_537, %min3A_282 : vector<16xf32>
        %mul3A_539 = arith.mulf %sub3A_538, %select_n3A_339 : vector<16xf32>
        %convert_element_type3A_540 = arith.fptosi %mul3A_539 : vector<16xf32> to vector<16xi32>
        %broadcast_in_dim3A_541 = vector.shape_cast %convert_element_type3A_540 : vector<16xi32> to vector<16x1xi32>
        %gather3A_542 = vector.shape_cast %broadcast_in_dim3A_541 : vector<16x1xi32> to vector<16xi32>
        %gather3A_543 = tpu.dynamic_gather %add3A_342[%gather3A_542] in [0] : vector<16xf32>, vector<16xi32> -> vector<16xf32>
        %swap3A_544 = arith.index_cast %add3A_534 : i32 to index
        %swap3A_545 = arith.constant 0 : index
        %swap3A_546 = tpu.vector_load %arg4[%swap3A_544, %swap3A_545] {strides = array<i32>} : memref<256x192xf32, #tpu.memory_space<vmem>>, vector<16xf32>,
        tpu.vector_store %arg4[%swap3A_544, %swap3A_545], %gather3A_543 {strides = array<i32>} : memref<256x192xf32, #tpu.memory_space<vmem>>, vector<16xf32>,
        %get3A_547 = arith.index_cast %add3A_534 : i32 to index
        %get3A_548 = arith.constant 16 : index
        %get3A_549 = tpu.vector_load %arg4[%get3A_547, %get3A_548] {strides = array<i32>} : memref<256x192xf32, #tpu.memory_space<vmem>>, vector<16xf32>,
        %sub3A_550 = arith.subf %get3A_549, %min3A_282 : vector<16xf32>
        %mul3A_551 = arith.mulf %sub3A_550, %select_n3A_339 : vector<16xf32>
        %convert_element_type3A_552 = arith.fptosi %mul3A_551 : vector<16xf32> to vector<16xi32>
        %broadcast_in_dim3A_553 = vector.shape_cast %convert_element_type3A_552 : vector<16xi32> to vector<16x1xi32>
        %gather3A_554 = vector.shape_cast %broadcast_in_dim3A_553 : vector<16x1xi32> to vector<16xi32>
        %gather3A_555 = tpu.dynamic_gather %add3A_342[%gather3A_554] in [0] : vector<16xf32>, vector<16xi32> -> vector<16xf32>
        %swap3A_556 = arith.index_cast %add3A_534 : i32 to index
        %swap3A_557 = arith.constant 16 : index
        %swap3A_558 = tpu.vector_load %arg4[%swap3A_556, %swap3A_557] {strides = array<i32>} : memref<256x192xf32, #tpu.memory_space<vmem>>, vector<16xf32>,
        tpu.vector_store %arg4[%swap3A_556, %swap3A_557], %gather3A_555 {strides = array<i32>} : memref<256x192xf32, #tpu.memory_space<vmem>>, vector<16xf32>,
        %get3A_559 = arith.index_cast %add3A_534 : i32 to index
        %get3A_560 = arith.constant 32 : index
        %get3A_561 = tpu.vector_load %arg4[%get3A_559, %get3A_560] {strides = array<i32>} : memref<256x192xf32, #tpu.memory_space<vmem>>, vector<16xf32>,
        %sub3A_562 = arith.subf %get3A_561, %min3A_282 : vector<16xf32>
        %mul3A_563 = arith.mulf %sub3A_562, %select_n3A_339 : vector<16xf32>
        %convert_element_type3A_564 = arith.fptosi %mul3A_563 : vector<16xf32> to vector<16xi32>
        %broadcast_in_dim3A_565 = vector.shape_cast %convert_element_type3A_564 : vector<16xi32> to vector<16x1xi32>
        %gather3A_566 = vector.shape_cast %broadcast_in_dim3A_565 : vector<16x1xi32> to vector<16xi32>
        %gather3A_567 = tpu.dynamic_gather %add3A_342[%gather3A_566] in [0] : vector<16xf32>, vector<16xi32> -> vector<16xf32>
        %swap3A_568 = arith.index_cast %add3A_534 : i32 to index
        %swap3A_569 = arith.constant 32 : index
        %swap3A_570 = tpu.vector_load %arg4[%swap3A_568, %swap3A_569] {strides = array<i32>} : memref<256x192xf32, #tpu.memory_space<vmem>>, vector<16xf32>,
        tpu.vector_store %arg4[%swap3A_568, %swap3A_569], %gather3A_567 {strides = array<i32>} : memref<256x192xf32, #tpu.memory_space<vmem>>, vector<16xf32>,
        %get3A_571 = arith.index_cast %add3A_534 : i32 to index
        %get3A_572 = arith.constant 48 : index
        %get3A_573 = tpu.vector_load %arg4[%get3A_571, %get3A_572] {strides = array<i32>} : memref<256x192xf32, #tpu.memory_space<vmem>>, vector<16xf32>,
        %sub3A_574 = arith.subf %get3A_573, %min3A_282 : vector<16xf32>
        %mul3A_575 = arith.mulf %sub3A_574, %select_n3A_339 : vector<16xf32>
        %convert_element_type3A_576 = arith.fptosi %mul3A_575 : vector<16xf32> to vector<16xi32>
        %broadcast_in_dim3A_577 = vector.shape_cast %convert_element_type3A_576 : vector<16xi32> to vector<16x1xi32>
        %gather3A_578 = vector.shape_cast %broadcast_in_dim3A_577 : vector<16x1xi32> to vector<16xi32>
        %gather3A_579 = tpu.dynamic_gather %add3A_342[%gather3A_578] in [0] : vector<16xf32>, vector<16xi32> -> vector<16xf32>
        %swap3A_580 = arith.index_cast %add3A_534 : i32 to index
        %swap3A_581 = arith.constant 48 : index
        %swap3A_582 = tpu.vector_load %arg4[%swap3A_580, %swap3A_581] {strides = array<i32>} : memref<256x192xf32, #tpu.memory_space<vmem>>, vector<16xf32>,
        tpu.vector_store %arg4[%swap3A_580, %swap3A_581], %gather3A_579 {strides = array<i32>} : memref<256x192xf32, #tpu.memory_space<vmem>>, vector<16xf32>,
        %get3A_583 = arith.index_cast %add3A_534 : i32 to index
        %get3A_584 = arith.constant 64 : index
        %get3A_585 = tpu.vector_load %arg4[%get3A_583, %get3A_584] {strides = array<i32>} : memref<256x192xf32, #tpu.memory_space<vmem>>, vector<16xf32>,
        %sub3A_586 = arith.subf %get3A_585, %min3A_282 : vector<16xf32>
        %mul3A_587 = arith.mulf %sub3A_586, %select_n3A_339 : vector<16xf32>
        %convert_element_type3A_588 = arith.fptosi %mul3A_587 : vector<16xf32> to vector<16xi32>
        %broadcast_in_dim3A_589 = vector.shape_cast %convert_element_type3A_588 : vector<16xi32> to vector<16x1xi32>
        %gather3A_590 = vector.shape_cast %broadcast_in_dim3A_589 : vector<16x1xi32> to vector<16xi32>
        %gather3A_591 = tpu.dynamic_gather %add3A_342[%gather3A_590] in [0] : vector<16xf32>, vector<16xi32> -> vector<16xf32>
        %swap3A_592 = arith.index_cast %add3A_534 : i32 to index
        %swap3A_593 = arith.constant 64 : index
        %swap3A_594 = tpu.vector_load %arg4[%swap3A_592, %swap3A_593] {strides = array<i32>} : memref<256x192xf32, #tpu.memory_space<vmem>>, vector<16xf32>,
        tpu.vector_store %arg4[%swap3A_592, %swap3A_593], %gather3A_591 {strides = array<i32>} : memref<256x192xf32, #tpu.memory_space<vmem>>, vector<16xf32>,
        %get3A_595 = arith.index_cast %add3A_534 : i32 to index
        %get3A_596 = arith.constant 80 : index
        %get3A_597 = tpu.vector_load %arg4[%get3A_595, %get3A_596] {strides = array<i32>} : memref<256x192xf32, #tpu.memory_space<vmem>>, vector<16xf32>,
        %sub3A_598 = arith.subf %get3A_597, %min3A_282 : vector<16xf32>
        %mul3A_599 = arith.mulf %sub3A_598, %select_n3A_339 : vector<16xf32>
        %convert_element_type3A_600 = arith.fptosi %mul3A_599 : vector<16xf32> to vector<16xi32>
        %broadcast_in_dim3A_601 = vector.shape_cast %convert_element_type3A_600 : vector<16xi32> to vector<16x1xi32>
        %gather3A_602 = vector.shape_cast %broadcast_in_dim3A_601 : vector<16x1xi32> to vector<16xi32>
        %gather3A_603 = tpu.dynamic_gather %add3A_342[%gather3A_602] in [0] : vector<16xf32>, vector<16xi32> -> vector<16xf32>
        %swap3A_604 = arith.index_cast %add3A_534 : i32 to index
        %swap3A_605 = arith.constant 80 : index
        %swap3A_606 = tpu.vector_load %arg4[%swap3A_604, %swap3A_605] {strides = array<i32>} : memref<256x192xf32, #tpu.memory_space<vmem>>, vector<16xf32>,
        tpu.vector_store %arg4[%swap3A_604, %swap3A_605], %gather3A_603 {strides = array<i32>} : memref<256x192xf32, #tpu.memory_space<vmem>>, vector<16xf32>,
        %get3A_607 = arith.index_cast %add3A_534 : i32 to index
        %get3A_608 = arith.constant 96 : index
        %get3A_609 = tpu.vector_load %arg4[%get3A_607, %get3A_608] {strides = array<i32>} : memref<256x192xf32, #tpu.memory_space<vmem>>, vector<16xf32>,
        %sub3A_610 = arith.subf %get3A_609, %min3A_282 : vector<16xf32>
        %mul3A_611 = arith.mulf %sub3A_610, %select_n3A_339 : vector<16xf32>
        %convert_element_type3A_612 = arith.fptosi %mul3A_611 : vector<16xf32> to vector<16xi32>
        %broadcast_in_dim3A_613 = vector.shape_cast %convert_element_type3A_612 : vector<16xi32> to vector<16x1xi32>
        %gather3A_614 = vector.shape_cast %broadcast_in_dim3A_613 : vector<16x1xi32> to vector<16xi32>
        %gather3A_615 = tpu.dynamic_gather %add3A_342[%gather3A_614] in [0] : vector<16xf32>, vector<16xi32> -> vector<16xf32>
        %swap3A_616 = arith.index_cast %add3A_534 : i32 to index
        %swap3A_617 = arith.constant 96 : index
        %swap3A_618 = tpu.vector_load %arg4[%swap3A_616, %swap3A_617] {strides = array<i32>} : memref<256x192xf32, #tpu.memory_space<vmem>>, vector<16xf32>,
        tpu.vector_store %arg4[%swap3A_616, %swap3A_617], %gather3A_615 {strides = array<i32>} : memref<256x192xf32, #tpu.memory_space<vmem>>, vector<16xf32>,
        %get3A_619 = arith.index_cast %add3A_534 : i32 to index
        %get3A_620 = arith.constant 112 : index
        %get3A_621 = tpu.vector_load %arg4[%get3A_619, %get3A_620] {strides = array<i32>} : memref<256x192xf32, #tpu.memory_space<vmem>>, vector<16xf32>,
        %sub3A_622 = arith.subf %get3A_621, %min3A_282 : vector<16xf32>
        %mul3A_623 = arith.mulf %sub3A_622, %select_n3A_339 : vector<16xf32>
        %convert_element_type3A_624 = arith.fptosi %mul3A_623 : vector<16xf32> to vector<16xi32>
        %broadcast_in_dim3A_625 = vector.shape_cast %convert_element_type3A_624 : vector<16xi32> to vector<16x1xi32>
        %gather3A_626 = vector.shape_cast %broadcast_in_dim3A_625 : vector<16x1xi32> to vector<16xi32>
        %gather3A_627 = tpu.dynamic_gather %add3A_342[%gather3A_626] in [0] : vector<16xf32>, vector<16xi32> -> vector<16xf32>
        %swap3A_628 = arith.index_cast %add3A_534 : i32 to index
        %swap3A_629 = arith.constant 112 : index
        %swap3A_630 = tpu.vector_load %arg4[%swap3A_628, %swap3A_629] {strides = array<i32>} : memref<256x192xf32, #tpu.memory_space<vmem>>, vector<16xf32>,
        tpu.vector_store %arg4[%swap3A_628, %swap3A_629], %gather3A_627 {strides = array<i32>} : memref<256x192xf32, #tpu.memory_space<vmem>>, vector<16xf32>,
        %get3A_631 = arith.index_cast %add3A_534 : i32 to index
        %get3A_632 = arith.constant 128 : index
        %get3A_633 = tpu.vector_load %arg4[%get3A_631, %get3A_632] {strides = array<i32>} : memref<256x192xf32, #tpu.memory_space<vmem>>, vector<16xf32>,
        %sub3A_634 = arith.subf %get3A_633, %min3A_282 : vector<16xf32>
        %mul3A_635 = arith.mulf %sub3A_634, %select_n3A_339 : vector<16xf32>
        %convert_element_type3A_636 = arith.fptosi %mul3A_635 : vector<16xf32> to vector<16xi32>
        %broadcast_in_dim3A_637 = vector.shape_cast %convert_element_type3A_636 : vector<16xi32> to vector<16x1xi32>
        %gather3A_638 = vector.shape_cast %broadcast_in_dim3A_637 : vector<16x1xi32> to vector<16xi32>
        %gather3A_639 = tpu.dynamic_gather %add3A_342[%gather3A_638] in [0] : vector<16xf32>, vector<16xi32> -> vector<16xf32>
        %swap3A_640 = arith.index_cast %add3A_534 : i32 to index
        %swap3A_641 = arith.constant 128 : index
        %swap3A_642 = tpu.vector_load %arg4[%swap3A_640, %swap3A_641] {strides = array<i32>} : memref<256x192xf32, #tpu.memory_space<vmem>>, vector<16xf32>,
        tpu.vector_store %arg4[%swap3A_640, %swap3A_641], %gather3A_639 {strides = array<i32>} : memref<256x192xf32, #tpu.memory_space<vmem>>, vector<16xf32>,
        %get3A_643 = arith.index_cast %add3A_534 : i32 to index
        %get3A_644 = arith.constant 144 : index
        %get3A_645 = tpu.vector_load %arg4[%get3A_643, %get3A_644] {strides = array<i32>} : memref<256x192xf32, #tpu.memory_space<vmem>>, vector<16xf32>,
        %sub3A_646 = arith.subf %get3A_645, %min3A_282 : vector<16xf32>
        %mul3A_647 = arith.mulf %sub3A_646, %select_n3A_339 : vector<16xf32>
        %convert_element_type3A_648 = arith.fptosi %mul3A_647 : vector<16xf32> to vector<16xi32>
        %broadcast_in_dim3A_649 = vector.shape_cast %convert_element_type3A_648 : vector<16xi32> to vector<16x1xi32>
        %gather3A_650 = vector.shape_cast %broadcast_in_dim3A_649 : vector<16x1xi32> to vector<16xi32>
        %gather3A_651 = tpu.dynamic_gather %add3A_342[%gather3A_650] in [0] : vector<16xf32>, vector<16xi32> -> vector<16xf32>
        %swap3A_652 = arith.index_cast %add3A_534 : i32 to index
        %swap3A_653 = arith.constant 144 : index
        %swap3A_654 = tpu.vector_load %arg4[%swap3A_652, %swap3A_653] {strides = array<i32>} : memref<256x192xf32, #tpu.memory_space<vmem>>, vector<16xf32>,
        tpu.vector_store %arg4[%swap3A_652, %swap3A_653], %gather3A_651 {strides = array<i32>} : memref<256x192xf32, #tpu.memory_space<vmem>>, vector<16xf32>,
        %get3A_655 = arith.index_cast %add3A_534 : i32 to index
        %get3A_656 = arith.constant 160 : index
        %get3A_657 = tpu.vector_load %arg4[%get3A_655, %get3A_656] {strides = array<i32>} : memref<256x192xf32, #tpu.memory_space<vmem>>, vector<16xf32>,
        %sub3A_658 = arith.subf %get3A_657, %min3A_282 : vector<16xf32>
        %mul3A_659 = arith.mulf %sub3A_658, %select_n3A_339 : vector<16xf32>
        %convert_element_type3A_660 = arith.fptosi %mul3A_659 : vector<16xf32> to vector<16xi32>
        %broadcast_in_dim3A_661 = vector.shape_cast %convert_element_type3A_660 : vector<16xi32> to vector<16x1xi32>
        %gather3A_662 = vector.shape_cast %broadcast_in_dim3A_661 : vector<16x1xi32> to vector<16xi32>
        %gather3A_663 = tpu.dynamic_gather %add3A_342[%gather3A_662] in [0] : vector<16xf32>, vector<16xi32> -> vector<16xf32>
        %swap3A_664 = arith.index_cast %add3A_534 : i32 to index
        %swap3A_665 = arith.constant 160 : index
        %swap3A_666 = tpu.vector_load %arg4[%swap3A_664, %swap3A_665] {strides = array<i32>} : memref<256x192xf32, #tpu.memory_space<vmem>>, vector<16xf32>,
        tpu.vector_store %arg4[%swap3A_664, %swap3A_665], %gather3A_663 {strides = array<i32>} : memref<256x192xf32, #tpu.memory_space<vmem>>, vector<16xf32>,
        %get3A_667 = arith.index_cast %add3A_534 : i32 to index
        %get3A_668 = arith.constant 176 : index
        %get3A_669 = tpu.vector_load %arg4[%get3A_667, %get3A_668] {strides = array<i32>} : memref<256x192xf32, #tpu.memory_space<vmem>>, vector<16xf32>,
        %sub3A_670 = arith.subf %get3A_669, %min3A_282 : vector<16xf32>
        %mul3A_671 = arith.mulf %sub3A_670, %select_n3A_339 : vector<16xf32>
        %convert_element_type3A_672 = arith.fptosi %mul3A_671 : vector<16xf32> to vector<16xi32>
        %broadcast_in_dim3A_673 = vector.shape_cast %convert_element_type3A_672 : vector<16xi32> to vector<16x1xi32>
        %gather3A_674 = vector.shape_cast %broadcast_in_dim3A_673 : vector<16x1xi32> to vector<16xi32>
        %gather3A_675 = tpu.dynamic_gather %add3A_342[%gather3A_674] in [0] : vector<16xf32>, vector<16xi32> -> vector<16xf32>
        %swap3A_676 = arith.index_cast %add3A_534 : i32 to index
        %swap3A_677 = arith.constant 176 : index
        %swap3A_678 = tpu.vector_load %arg4[%swap3A_676, %swap3A_677] {strides = array<i32>} : memref<256x192xf32, #tpu.memory_space<vmem>>, vector<16xf32>,
        tpu.vector_store %arg4[%swap3A_676, %swap3A_677], %gather3A_675 {strides = array<i32>} : memref<256x192xf32, #tpu.memory_space<vmem>>, vector<16xf32>,
      }
      %scan3A_519 = arith.constant 16 : i32
      %add3A_520 = arith.addi %add3A, %mul3A_514 : i32
      %dma_start3A_521 = arith.constant 0 : i32
      %dma_start3A_522 = tpu.memref_slice %arg4[%mul3A_514, %dma_start3A_521] : memref<256x192xf32, #tpu.memory_space<vmem>> -> memref<16x192xf32, #tpu.memory_space<vmem>>
      %dma_start3A_523 = arith.constant 0 : i32
      %dma_start3A_524 = tpu.memref_slice %arg3[%add3A_520, %dma_start3A_523] : memref<8192x192xf32, #tpu.memory_space<hbm>> -> memref<16x192xf32, #tpu.memory_space<hbm>>
      %dma_start3A_525 = arith.constant 0 : i32
      %dma_start3A_526 = tpu.memref_slice %arg3[%add3A_520, %dma_start3A_525] : memref<8192x192xf32, #tpu.memory_space<hbm>> -> memref<16x192xf32, #tpu.memory_space<hbm>>
      %dma_start3A_527 = arith.constant 0 : i32
      %dma_start3A_528 = tpu.memref_slice %arg4[%mul3A_514, %dma_start3A_527] : memref<256x192xf32, #tpu.memory_space<vmem>> -> memref<16x192xf32, #tpu.memory_space<vmem>>
      tpu.enqueue_dma source(%dma_start3A_528 : memref<16x192xf32, #tpu.memory_space<vmem>>) target(%dma_start3A_526 : memref<16x192xf32, #tpu.memory_space<hbm>>) target_semaphore(%arg13 : memref<!tpu.dma_semaphore, #tpu.memory_space<semaphore_mem>>)
    }
    %scan3A_347 = arith.constant 16 : i32
    %dma_wait3A_348 = arith.constant 0 : i32
    %dma_wait3A_349 = arith.constant 0 : i32
    %dma_wait3A_350 = tpu.memref_slice %arg4[%dma_wait3A_348, %dma_wait3A_349] : memref<256x192xf32, #tpu.memory_space<vmem>> -> memref<16x192xf32, #tpu.memory_space<vmem>>
    %dma_wait3A_351 = arith.constant 0 : i32
    %dma_wait3A_352 = tpu.memref_slice %arg3[%add3A, %dma_wait3A_351] : memref<8192x192xf32, #tpu.memory_space<hbm>> -> memref<16x192xf32, #tpu.memory_space<hbm>>
    %dma_wait3A_353 = arith.constant 0 : i32
    %dma_wait3A_354 = tpu.memref_slice %arg3[%add3A, %dma_wait3A_353] : memref<8192x192xf32, #tpu.memory_space<hbm>> -> memref<16x192xf32, #tpu.memory_space<hbm>>
    %dma_wait3A_355 = arith.constant 0 : i32
    %dma_wait3A_356 = arith.constant 0 : i32
    %dma_wait3A_357 = tpu.memref_slice %arg4[%dma_wait3A_355, %dma_wait3A_356] : memref<256x192xf32, #tpu.memory_space<vmem>> -> memref<16x192xf32, #tpu.memory_space<vmem>>
    tpu.wait_dma2 semaphore(%arg13 : memref<!tpu.dma_semaphore, #tpu.memory_space<semaphore_mem>>) src(%dma_wait3A_357 : memref<16x192xf32, #tpu.memory_space<vmem>>) dst(%dma_wait3A_354 : memref<16x192xf32, #tpu.memory_space<hbm>>)
    %dma_wait3A_358 = arith.constant 0 : i32
    %dma_wait3A_359 = arith.constant 0 : i32
    %dma_wait3A_360 = tpu.memref_slice %arg4[%dma_wait3A_358, %dma_wait3A_359] : memref<256x192xf32, #tpu.memory_space<vmem>> -> memref<16x192xf32, #tpu.memory_space<vmem>>
    %dma_wait3A_361 = arith.constant 0 : i32
    %dma_wait3A_362 = tpu.memref_slice %arg3[%add3A, %dma_wait3A_361] : memref<8192x192xf32, #tpu.memory_space<hbm>> -> memref<16x192xf32, #tpu.memory_space<hbm>>
    %dma_wait3A_363 = arith.constant 0 : i32
    %dma_wait3A_364 = tpu.memref_slice %arg3[%add3A, %dma_wait3A_363] : memref<8192x192xf32, #tpu.memory_space<hbm>> -> memref<16x192xf32, #tpu.memory_space<hbm>>
    %dma_wait3A_365 = arith.constant 0 : i32
    %dma_wait3A_366 = arith.constant 0 : i32
    %dma_wait3A_367 = tpu.memref_slice %arg4[%dma_wait3A_365, %dma_wait3A_366] : memref<256x192xf32, #tpu.memory_space<vmem>> -> memref<16x192xf32, #tpu.memory_space<vmem>>
    tpu.wait_dma2 semaphore(%arg13 : memref<!tpu.dma_semaphore, #tpu.memory_space<semaphore_mem>>) src(%dma_wait3A_367 : memref<16x192xf32, #tpu.memory_space<vmem>>) dst(%dma_wait3A_364 : memref<16x192xf32, #tpu.memory_space<hbm>>)
    %dma_wait3A_368 = arith.constant 0 : i32
    %dma_wait3A_369 = arith.constant 0 : i32
    %dma_wait3A_370 = tpu.memref_slice %arg4[%dma_wait3A_368, %dma_wait3A_369] : memref<256x192xf32, #tpu.memory_space<vmem>> -> memref<16x192xf32, #tpu.memory_space<vmem>>
    %dma_wait3A_371 = arith.constant 0 : i32
    %dma_wait3A_372 = tpu.memref_slice %arg3[%add3A, %dma_wait3A_371] : memref<8192x192xf32, #tpu.memory_space<hbm>> -> memref<16x192xf32, #tpu.memory_space<hbm>>
    %dma_wait3A_373 = arith.constant 0 : i32
    %dma_wait3A_374 = tpu.memref_slice %arg3[%add3A, %dma_wait3A_373] : memref<8192x192xf32, #tpu.memory_space<hbm>> -> memref<16x192xf32, #tpu.memory_space<hbm>>
    %dma_wait3A_375 = arith.constant 0 : i32
    %dma_wait3A_376 = arith.constant 0 : i32
    %dma_wait3A_377 = tpu.memref_slice %arg4[%dma_wait3A_375, %dma_wait3A_376] : memref<256x192xf32, #tpu.memory_space<vmem>> -> memref<16x192xf32, #tpu.memory_space<vmem>>
    tpu.wait_dma2 semaphore(%arg13 : memref<!tpu.dma_semaphore, #tpu.memory_space<semaphore_mem>>) src(%dma_wait3A_377 : memref<16x192xf32, #tpu.memory_space<vmem>>) dst(%dma_wait3A_374 : memref<16x192xf32, #tpu.memory_space<hbm>>)
    %dma_wait3A_378 = arith.constant 0 : i32
    %dma_wait3A_379 = arith.constant 0 : i32
    %dma_wait3A_380 = tpu.memref_slice %arg4[%dma_wait3A_378, %dma_wait3A_379] : memref<256x192xf32, #tpu.memory_space<vmem>> -> memref<16x192xf32, #tpu.memory_space<vmem>>
    %dma_wait3A_381 = arith.constant 0 : i32
    %dma_wait3A_382 = tpu.memref_slice %arg3[%add3A, %dma_wait3A_381] : memref<8192x192xf32, #tpu.memory_space<hbm>> -> memref<16x192xf32, #tpu.memory_space<hbm>>
    %dma_wait3A_383 = arith.constant 0 : i32
    %dma_wait3A_384 = tpu.memref_slice %arg3[%add3A, %dma_wait3A_383] : memref<8192x192xf32, #tpu.memory_space<hbm>> -> memref<16x192xf32, #tpu.memory_space<hbm>>
    %dma_wait3A_385 = arith.constant 0 : i32
    %dma_wait3A_386 = arith.constant 0 : i32
    %dma_wait3A_387 = tpu.memref_slice %arg4[%dma_wait3A_385, %dma_wait3A_386] : memref<256x192xf32, #tpu.memory_space<vmem>> -> memref<16x192xf32, #tpu.memory_space<vmem>>
    tpu.wait_dma2 semaphore(%arg13 : memref<!tpu.dma_semaphore, #tpu.memory_space<semaphore_mem>>) src(%dma_wait3A_387 : memref<16x192xf32, #tpu.memory_space<vmem>>) dst(%dma_wait3A_384 : memref<16x192xf32, #tpu.memory_space<hbm>>)
    %dma_wait3A_388 = arith.constant 0 : i32
    %dma_wait3A_389 = arith.constant 0 : i32
    %dma_wait3A_390 = tpu.memref_slice %arg4[%dma_wait3A_388, %dma_wait3A_389] : memref<256x192xf32, #tpu.memory_space<vmem>> -> memref<16x192xf32, #tpu.memory_space<vmem>>
    %dma_wait3A_391 = arith.constant 0 : i32
    %dma_wait3A_392 = tpu.memref_slice %arg3[%add3A, %dma_wait3A_391] : memref<8192x192xf32, #tpu.memory_space<hbm>> -> memref<16x192xf32, #tpu.memory_space<hbm>>
    %dma_wait3A_393 = arith.constant 0 : i32
    %dma_wait3A_394 = tpu.memref_slice %arg3[%add3A, %dma_wait3A_393] : memref<8192x192xf32, #tpu.memory_space<hbm>> -> memref<16x192xf32, #tpu.memory_space<hbm>>
    %dma_wait3A_395 = arith.constant 0 : i32
    %dma_wait3A_396 = arith.constant 0 : i32
    %dma_wait3A_397 = tpu.memref_slice %arg4[%dma_wait3A_395, %dma_wait3A_396] : memref<256x192xf32, #tpu.memory_space<vmem>> -> memref<16x192xf32, #tpu.memory_space<vmem>>
    tpu.wait_dma2 semaphore(%arg13 : memref<!tpu.dma_semaphore, #tpu.memory_space<semaphore_mem>>) src(%dma_wait3A_397 : memref<16x192xf32, #tpu.memory_space<vmem>>) dst(%dma_wait3A_394 : memref<16x192xf32, #tpu.memory_space<hbm>>)
    %dma_wait3A_398 = arith.constant 0 : i32
    %dma_wait3A_399 = arith.constant 0 : i32
    %dma_wait3A_400 = tpu.memref_slice %arg4[%dma_wait3A_398, %dma_wait3A_399] : memref<256x192xf32, #tpu.memory_space<vmem>> -> memref<16x192xf32, #tpu.memory_space<vmem>>
    %dma_wait3A_401 = arith.constant 0 : i32
    %dma_wait3A_402 = tpu.memref_slice %arg3[%add3A, %dma_wait3A_401] : memref<8192x192xf32, #tpu.memory_space<hbm>> -> memref<16x192xf32, #tpu.memory_space<hbm>>
    %dma_wait3A_403 = arith.constant 0 : i32
    %dma_wait3A_404 = tpu.memref_slice %arg3[%add3A, %dma_wait3A_403] : memref<8192x192xf32, #tpu.memory_space<hbm>> -> memref<16x192xf32, #tpu.memory_space<hbm>>
    %dma_wait3A_405 = arith.constant 0 : i32
    %dma_wait3A_406 = arith.constant 0 : i32
    %dma_wait3A_407 = tpu.memref_slice %arg4[%dma_wait3A_405, %dma_wait3A_406] : memref<256x192xf32, #tpu.memory_space<vmem>> -> memref<16x192xf32, #tpu.memory_space<vmem>>
    tpu.wait_dma2 semaphore(%arg13 : memref<!tpu.dma_semaphore, #tpu.memory_space<semaphore_mem>>) src(%dma_wait3A_407 : memref<16x192xf32, #tpu.memory_space<vmem>>) dst(%dma_wait3A_404 : memref<16x192xf32, #tpu.memory_space<hbm>>)
    %dma_wait3A_408 = arith.constant 0 : i32
    %dma_wait3A_409 = arith.constant 0 : i32
    %dma_wait3A_410 = tpu.memref_slice %arg4[%dma_wait3A_408, %dma_wait3A_409] : memref<256x192xf32, #tpu.memory_space<vmem>> -> memref<16x192xf32, #tpu.memory_space<vmem>>
    %dma_wait3A_411 = arith.constant 0 : i32
    %dma_wait3A_412 = tpu.memref_slice %arg3[%add3A, %dma_wait3A_411] : memref<8192x192xf32, #tpu.memory_space<hbm>> -> memref<16x192xf32, #tpu.memory_space<hbm>>
    %dma_wait3A_413 = arith.constant 0 : i32
    %dma_wait3A_414 = tpu.memref_slice %arg3[%add3A, %dma_wait3A_413] : memref<8192x192xf32, #tpu.memory_space<hbm>> -> memref<16x192xf32, #tpu.memory_space<hbm>>
    %dma_wait3A_415 = arith.constant 0 : i32
    %dma_wait3A_416 = arith.constant 0 : i32
    %dma_wait3A_417 = tpu.memref_slice %arg4[%dma_wait3A_415, %dma_wait3A_416] : memref<256x192xf32, #tpu.memory_space<vmem>> -> memref<16x192xf32, #tpu.memory_space<vmem>>
    tpu.wait_dma2 semaphore(%arg13 : memref<!tpu.dma_semaphore, #tpu.memory_space<semaphore_mem>>) src(%dma_wait3A_417 : memref<16x192xf32, #tpu.memory_space<vmem>>) dst(%dma_wait3A_414 : memref<16x192xf32, #tpu.memory_space<hbm>>)
    %dma_wait3A_418 = arith.constant 0 : i32
    %dma_wait3A_419 = arith.constant 0 : i32
    %dma_wait3A_420 = tpu.memref_slice %arg4[%dma_wait3A_418, %dma_wait3A_419] : memref<256x192xf32, #tpu.memory_space<vmem>> -> memref<16x192xf32, #tpu.memory_space<vmem>>
    %dma_wait3A_421 = arith.constant 0 : i32
    %dma_wait3A_422 = tpu.memref_slice %arg3[%add3A, %dma_wait3A_421] : memref<8192x192xf32, #tpu.memory_space<hbm>> -> memref<16x192xf32, #tpu.memory_space<hbm>>
    %dma_wait3A_423 = arith.constant 0 : i32
    %dma_wait3A_424 = tpu.memref_slice %arg3[%add3A, %dma_wait3A_423] : memref<8192x192xf32, #tpu.memory_space<hbm>> -> memref<16x192xf32, #tpu.memory_space<hbm>>
    %dma_wait3A_425 = arith.constant 0 : i32
    %dma_wait3A_426 = arith.constant 0 : i32
    %dma_wait3A_427 = tpu.memref_slice %arg4[%dma_wait3A_425, %dma_wait3A_426] : memref<256x192xf32, #tpu.memory_space<vmem>> -> memref<16x192xf32, #tpu.memory_space<vmem>>
    tpu.wait_dma2 semaphore(%arg13 : memref<!tpu.dma_semaphore, #tpu.memory_space<semaphore_mem>>) src(%dma_wait3A_427 : memref<16x192xf32, #tpu.memory_space<vmem>>) dst(%dma_wait3A_424 : memref<16x192xf32, #tpu.memory_space<hbm>>)
    %dma_wait3A_428 = arith.constant 0 : i32
    %dma_wait3A_429 = arith.constant 0 : i32
    %dma_wait3A_430 = tpu.memref_slice %arg4[%dma_wait3A_428, %dma_wait3A_429] : memref<256x192xf32, #tpu.memory_space<vmem>> -> memref<16x192xf32, #tpu.memory_space<vmem>>
    %dma_wait3A_431 = arith.constant 0 : i32
    %dma_wait3A_432 = tpu.memref_slice %arg3[%add3A, %dma_wait3A_431] : memref<8192x192xf32, #tpu.memory_space<hbm>> -> memref<16x192xf32, #tpu.memory_space<hbm>>
    %dma_wait3A_433 = arith.constant 0 : i32
    %dma_wait3A_434 = tpu.memref_slice %arg3[%add3A, %dma_wait3A_433] : memref<8192x192xf32, #tpu.memory_space<hbm>> -> memref<16x192xf32, #tpu.memory_space<hbm>>
    %dma_wait3A_435 = arith.constant 0 : i32
    %dma_wait3A_436 = arith.constant 0 : i32
    %dma_wait3A_437 = tpu.memref_slice %arg4[%dma_wait3A_435, %dma_wait3A_436] : memref<256x192xf32, #tpu.memory_space<vmem>> -> memref<16x192xf32, #tpu.memory_space<vmem>>
    tpu.wait_dma2 semaphore(%arg13 : memref<!tpu.dma_semaphore, #tpu.memory_space<semaphore_mem>>) src(%dma_wait3A_437 : memref<16x192xf32, #tpu.memory_space<vmem>>) dst(%dma_wait3A_434 : memref<16x192xf32, #tpu.memory_space<hbm>>)
    %dma_wait3A_438 = arith.constant 0 : i32
    %dma_wait3A_439 = arith.constant 0 : i32
    %dma_wait3A_440 = tpu.memref_slice %arg4[%dma_wait3A_438, %dma_wait3A_439] : memref<256x192xf32, #tpu.memory_space<vmem>> -> memref<16x192xf32, #tpu.memory_space<vmem>>
    %dma_wait3A_441 = arith.constant 0 : i32
    %dma_wait3A_442 = tpu.memref_slice %arg3[%add3A, %dma_wait3A_441] : memref<8192x192xf32, #tpu.memory_space<hbm>> -> memref<16x192xf32, #tpu.memory_space<hbm>>
    %dma_wait3A_443 = arith.constant 0 : i32
    %dma_wait3A_444 = tpu.memref_slice %arg3[%add3A, %dma_wait3A_443] : memref<8192x192xf32, #tpu.memory_space<hbm>> -> memref<16x192xf32, #tpu.memory_space<hbm>>
    %dma_wait3A_445 = arith.constant 0 : i32
    %dma_wait3A_446 = arith.constant 0 : i32
    %dma_wait3A_447 = tpu.memref_slice %arg4[%dma_wait3A_445, %dma_wait3A_446] : memref<256x192xf32, #tpu.memory_space<vmem>> -> memref<16x192xf32, #tpu.memory_space<vmem>>
    tpu.wait_dma2 semaphore(%arg13 : memref<!tpu.dma_semaphore, #tpu.memory_space<semaphore_mem>>) src(%dma_wait3A_447 : memref<16x192xf32, #tpu.memory_space<vmem>>) dst(%dma_wait3A_444 : memref<16x192xf32, #tpu.memory_space<hbm>>)
    %dma_wait3A_448 = arith.constant 0 : i32
    %dma_wait3A_449 = arith.constant 0 : i32
    %dma_wait3A_450 = tpu.memref_slice %arg4[%dma_wait3A_448, %dma_wait3A_449] : memref<256x192xf32, #tpu.memory_space<vmem>> -> memref<16x192xf32, #tpu.memory_space<vmem>>
    %dma_wait3A_451 = arith.constant 0 : i32
    %dma_wait3A_452 = tpu.memref_slice %arg3[%add3A, %dma_wait3A_451] : memref<8192x192xf32, #tpu.memory_space<hbm>> -> memref<16x192xf32, #tpu.memory_space<hbm>>
    %dma_wait3A_453 = arith.constant 0 : i32
    %dma_wait3A_454 = tpu.memref_slice %arg3[%add3A, %dma_wait3A_453] : memref<8192x192xf32, #tpu.memory_space<hbm>> -> memref<16x192xf32, #tpu.memory_space<hbm>>
    %dma_wait3A_455 = arith.constant 0 : i32
    %dma_wait3A_456 = arith.constant 0 : i32
    %dma_wait3A_457 = tpu.memref_slice %arg4[%dma_wait3A_455, %dma_wait3A_456] : memref<256x192xf32, #tpu.memory_space<vmem>> -> memref<16x192xf32, #tpu.memory_space<vmem>>
    tpu.wait_dma2 semaphore(%arg13 : memref<!tpu.dma_semaphore, #tpu.memory_space<semaphore_mem>>) src(%dma_wait3A_457 : memref<16x192xf32, #tpu.memory_space<vmem>>) dst(%dma_wait3A_454 : memref<16x192xf32, #tpu.memory_space<hbm>>)
    %dma_wait3A_458 = arith.constant 0 : i32
    %dma_wait3A_459 = arith.constant 0 : i32
    %dma_wait3A_460 = tpu.memref_slice %arg4[%dma_wait3A_458, %dma_wait3A_459] : memref<256x192xf32, #tpu.memory_space<vmem>> -> memref<16x192xf32, #tpu.memory_space<vmem>>
    %dma_wait3A_461 = arith.constant 0 : i32
    %dma_wait3A_462 = tpu.memref_slice %arg3[%add3A, %dma_wait3A_461] : memref<8192x192xf32, #tpu.memory_space<hbm>> -> memref<16x192xf32, #tpu.memory_space<hbm>>
    %dma_wait3A_463 = arith.constant 0 : i32
    %dma_wait3A_464 = tpu.memref_slice %arg3[%add3A, %dma_wait3A_463] : memref<8192x192xf32, #tpu.memory_space<hbm>> -> memref<16x192xf32, #tpu.memory_space<hbm>>
    %dma_wait3A_465 = arith.constant 0 : i32
    %dma_wait3A_466 = arith.constant 0 : i32
    %dma_wait3A_467 = tpu.memref_slice %arg4[%dma_wait3A_465, %dma_wait3A_466] : memref<256x192xf32, #tpu.memory_space<vmem>> -> memref<16x192xf32, #tpu.memory_space<vmem>>
    tpu.wait_dma2 semaphore(%arg13 : memref<!tpu.dma_semaphore, #tpu.memory_space<semaphore_mem>>) src(%dma_wait3A_467 : memref<16x192xf32, #tpu.memory_space<vmem>>) dst(%dma_wait3A_464 : memref<16x192xf32, #tpu.memory_space<hbm>>)
    %dma_wait3A_468 = arith.constant 0 : i32
    %dma_wait3A_469 = arith.constant 0 : i32
    %dma_wait3A_470 = tpu.memref_slice %arg4[%dma_wait3A_468, %dma_wait3A_469] : memref<256x192xf32, #tpu.memory_space<vmem>> -> memref<16x192xf32, #tpu.memory_space<vmem>>
    %dma_wait3A_471 = arith.constant 0 : i32
    %dma_wait3A_472 = tpu.memref_slice %arg3[%add3A, %dma_wait3A_471] : memref<8192x192xf32, #tpu.memory_space<hbm>> -> memref<16x192xf32, #tpu.memory_space<hbm>>
    %dma_wait3A_473 = arith.constant 0 : i32
    %dma_wait3A_474 = tpu.memref_slice %arg3[%add3A, %dma_wait3A_473] : memref<8192x192xf32, #tpu.memory_space<hbm>> -> memref<16x192xf32, #tpu.memory_space<hbm>>
    %dma_wait3A_475 = arith.constant 0 : i32
    %dma_wait3A_476 = arith.constant 0 : i32
    %dma_wait3A_477 = tpu.memref_slice %arg4[%dma_wait3A_475, %dma_wait3A_476] : memref<256x192xf32, #tpu.memory_space<vmem>> -> memref<16x192xf32, #tpu.memory_space<vmem>>
    tpu.wait_dma2 semaphore(%arg13 : memref<!tpu.dma_semaphore, #tpu.memory_space<semaphore_mem>>) src(%dma_wait3A_477 : memref<16x192xf32, #tpu.memory_space<vmem>>) dst(%dma_wait3A_474 : memref<16x192xf32, #tpu.memory_space<hbm>>)
    %dma_wait3A_478 = arith.constant 0 : i32
    %dma_wait3A_479 = arith.constant 0 : i32
    %dma_wait3A_480 = tpu.memref_slice %arg4[%dma_wait3A_478, %dma_wait3A_479] : memref<256x192xf32, #tpu.memory_space<vmem>> -> memref<16x192xf32, #tpu.memory_space<vmem>>
    %dma_wait3A_481 = arith.constant 0 : i32
    %dma_wait3A_482 = tpu.memref_slice %arg3[%add3A, %dma_wait3A_481] : memref<8192x192xf32, #tpu.memory_space<hbm>> -> memref<16x192xf32, #tpu.memory_space<hbm>>
    %dma_wait3A_483 = arith.constant 0 : i32
    %dma_wait3A_484 = tpu.memref_slice %arg3[%add3A, %dma_wait3A_483] : memref<8192x192xf32, #tpu.memory_space<hbm>> -> memref<16x192xf32, #tpu.memory_space<hbm>>
    %dma_wait3A_485 = arith.constant 0 : i32
    %dma_wait3A_486 = arith.constant 0 : i32
    %dma_wait3A_487 = tpu.memref_slice %arg4[%dma_wait3A_485, %dma_wait3A_486] : memref<256x192xf32, #tpu.memory_space<vmem>> -> memref<16x192xf32, #tpu.memory_space<vmem>>
    tpu.wait_dma2 semaphore(%arg13 : memref<!tpu.dma_semaphore, #tpu.memory_space<semaphore_mem>>) src(%dma_wait3A_487 : memref<16x192xf32, #tpu.memory_space<vmem>>) dst(%dma_wait3A_484 : memref<16x192xf32, #tpu.memory_space<hbm>>)
    %dma_wait3A_488 = arith.constant 0 : i32
    %dma_wait3A_489 = arith.constant 0 : i32
    %dma_wait3A_490 = tpu.memref_slice %arg4[%dma_wait3A_488, %dma_wait3A_489] : memref<256x192xf32, #tpu.memory_space<vmem>> -> memref<16x192xf32, #tpu.memory_space<vmem>>
    %dma_wait3A_491 = arith.constant 0 : i32
    %dma_wait3A_492 = tpu.memref_slice %arg3[%add3A, %dma_wait3A_491] : memref<8192x192xf32, #tpu.memory_space<hbm>> -> memref<16x192xf32, #tpu.memory_space<hbm>>
    %dma_wait3A_493 = arith.constant 0 : i32
    %dma_wait3A_494 = tpu.memref_slice %arg3[%add3A, %dma_wait3A_493] : memref<8192x192xf32, #tpu.memory_space<hbm>> -> memref<16x192xf32, #tpu.memory_space<hbm>>
    %dma_wait3A_495 = arith.constant 0 : i32
    %dma_wait3A_496 = arith.constant 0 : i32
    %dma_wait3A_497 = tpu.memref_slice %arg4[%dma_wait3A_495, %dma_wait3A_496] : memref<256x192xf32, #tpu.memory_space<vmem>> -> memref<16x192xf32, #tpu.memory_space<vmem>>
    tpu.wait_dma2 semaphore(%arg13 : memref<!tpu.dma_semaphore, #tpu.memory_space<semaphore_mem>>) src(%dma_wait3A_497 : memref<16x192xf32, #tpu.memory_space<vmem>>) dst(%dma_wait3A_494 : memref<16x192xf32, #tpu.memory_space<hbm>>)
    %dma_wait3A_498 = arith.constant 0 : i32
    %dma_wait3A_499 = arith.constant 0 : i32
    %dma_wait3A_500 = tpu.memref_slice %arg4[%dma_wait3A_498, %dma_wait3A_499] : memref<256x192xf32, #tpu.memory_space<vmem>> -> memref<16x192xf32, #tpu.memory_space<vmem>>
    %dma_wait3A_501 = arith.constant 0 : i32
    %dma_wait3A_502 = tpu.memref_slice %arg3[%add3A, %dma_wait3A_501] : memref<8192x192xf32, #tpu.memory_space<hbm>> -> memref<16x192xf32, #tpu.memory_space<hbm>>
    %dma_wait3A_503 = arith.constant 0 : i32
    %dma_wait3A_504 = tpu.memref_slice %arg3[%add3A, %dma_wait3A_503] : memref<8192x192xf32, #tpu.memory_space<hbm>> -> memref<16x192xf32, #tpu.memory_space<hbm>>
    %dma_wait3A_505 = arith.constant 0 : i32
    %dma_wait3A_506 = arith.constant 0 : i32
    %dma_wait3A_507 = tpu.memref_slice %arg4[%dma_wait3A_505, %dma_wait3A_506] : memref<256x192xf32, #tpu.memory_space<vmem>> -> memref<16x192xf32, #tpu.memory_space<vmem>>
    tpu.wait_dma2 semaphore(%arg13 : memref<!tpu.dma_semaphore, #tpu.memory_space<semaphore_mem>>) src(%dma_wait3A_507 : memref<16x192xf32, #tpu.memory_space<vmem>>) dst(%dma_wait3A_504 : memref<16x192xf32, #tpu.memory_space<hbm>>)
    return
  }
}

</mosaic_0001>

<sc_bundles>
// kernel: kernel.3.cloned.1.call-start
scs
__scs_entry_jumppad:
0x0: {  	(pc) =	sbr.rel $0x88, $3  }
0x1: {  	(tag) =	ssettag $0x0;
	lr =	simm.s32 $0x1  }
0x2: {  	[smem:$0x3FA0] =	sst lr;
	_ =	strace $0xD0000000  }
0x3: {  	_ = 	snop  }
0x4: {  	_ = 	snop  }
0x5: {  	_ = 	snop  }
0x6: {  	_ = 	snop  }
0x7: {  	_ = 	snop  }
__scs_overlays_trampoline_lowered:
0x8: {  	[smem:$0x3FAF] =	sst s0  }
0x9: {  	[smem:$0x3FB0] =	sst s1  }
0xa: {  	[smem:$0x3FB1] =	sst s2  }
0xb: {  	[smem:$0x3FB2] =	sst s3  }
0xc: {  	[smem:$0x3FB3] =	sst s4  }
0xd: {  	[smem:$0x3FB4] =	sst s5  }
0xe: {  	[smem:$0x3FB5] =	sst s6  }
0xf: {  	[smem:$0x3FB6] =	sst s7  }
0x10: {  	[smem:$0x3FB7] =	sst s8  }
0x11: {  	[smem:$0x3FB8] =	sst s9;
	s0 =	simm.s32 @!p0 $0x0  }
0x12: {  	s1 =	sld [smem:$0x3F9E];
	s0 =	simm.s32 @p0 $0x1  }
0x13: {  	[smem:$0x3FB9] =	sst s0;
	s0 =	simm.s32 @!p1 $0x0  }
0x14: {  	s2 =	sld [smem:$0x3F9D];
	s0 =	simm.s32 @p1 $0x1  }
0x15: {  	[smem:$0x3FBA] =	sst s0;
	s0 =	simm.s32 @!p2 $0x0  }
0x16: {  	s3 =	sld [smem:$0x3FDB];
	s0 =	simm.s32 @p2 $0x1  }
0x17: {  	s4 =	simm.s32 $0x1BF5;
	[smem:$0x3FBC] =	sst s0  }
0x18: {  	s0 =	sld [smem:$0x3F9F];
	_ =	swait.ge [sflag:s4], $0x0  }
0x19: {  	s7 =	sld [smem:$0x3FA0]  }
0x1a: {  	s8 =	sadd.s32 $0xFFFFE003, lr  }
0x1b: {  	s9 =	sadd.s32 $0xFFFFFEF7, lr;
	s5 =	simm.s32 $0xFFFFFFFF;
	p2 =	slt.u32 s8, $0xFFFFF086  }
0x1c: {  	p1 =	slt.u32 s9, $0xF7A;
	s5 =	simm.s32 @!p2 $0x0  }
0x1d: {  	s5 =	simm.s32 @p1 $0x1;
	p0 =	seq.s32 s7, s2  }
0x1e: {  	s7 =	smul.u32 @!p0 $0xF7A, s2;
	p2 =	seq.s32 @!p0 s5, $0x0  }
0x1f: {  	s9 =	smul.u32 $0xF7A, s1;
	s8 =	simm.s32 @!p0 $0x1BF5;
	p2 =	por !p2, p0  }
0x20: {  	[sflag:s8] =	ssyncset.s32 @!p0 $0xFFFFF086;
	s6 =	sadd.s32 @!p0 s3, s7;
	s7 =	simm.s32 @!p0 $0x108  }
0x21: {  	s3 =	sadd.s32 s3, s9;
	s6 =	sadd.s32 @!p0 $0x88, s6;
	s7 =	simm.s32 @p2 $0x1082  }
0x22: {  	[simem:s7], [sflag:s8] =	dma.local @!p0 [hbm:s6], $0xF7A  }
0x23: {  	s9 =	sor.u32 $0xD0000000, s2;
	s6 =	simm.s32 $0x108;
	_ =	swait.ge @!p0 [sflag:s8], $0x0  }
0x24: {  	s3 =	sadd.s32 $0x88, s3;
	s6 =	simm.s32 @!p1 $0x1082;
	[sflag:s4] =	ssyncset.s32 $0xFFFFF086  }
0x25: {  	[simem:s6], [sflag:s4] =	dma.local [hbm:s3], $0xF7A  }
0x26: {  	[smem:$0x3FA0] =	sst s1;
	(tag) =	ssettag s2;
	_ =	strace s9  }
0x27: {  	s1 =	sld [smem:$0x3FB0]  }
0x28: {  	s2 =	sld [smem:$0x3FB1]  }
0x29: {  	s4 =	sld [smem:$0x3FB3]  }
0x2a: {  	p0 =	seq.s32 s5, $0x0;
	s5 =	sld [smem:$0x3FB4]  }
0x2b: {  	s6 =	sld [smem:$0x3FB5]  }
0x2c: {  	s7 =	sld [smem:$0x3FB6]  }
0x2d: {  	s3 =	simm.s32 $0x108;
	s8 =	sld [smem:$0x3FB7]  }
0x2e: {  	s3 =	simm.s32 @!p0 $0x1082;
	s9 =	sld [smem:$0x3FB8]  }
0x2f: {  	lr =	sadd.s32 s0, s3;
	s0 =	sld [smem:$0x3FAF]  }
0x30: {  	s3 =	sld [smem:$0x3FB2]  }
0x31: {  	[smem:$0x3FBB] =	sst s10  }
0x32: {  	s10 =	sld [smem:$0x3FB9];
	_ =	sdelay $0x3  }
0x33: {  	p0 =	seq.s32 s10, $0x1;
	s10 =	sld [smem:$0x3FBB];
	_ =	sdelay $0x3  }
0x34: {  	[smem:$0x3FBB] =	sst s10  }
0x35: {  	s10 =	sld [smem:$0x3FBA];
	_ =	sdelay $0x3  }
0x36: {  	p1 =	seq.s32 s10, $0x1;
	s10 =	sld [smem:$0x3FBB];
	_ =	sdelay $0x3  }
0x37: {  	[smem:$0x3FBB] =	sst s10  }
0x38: {  	s10 =	sld [smem:$0x3FBC]  }
0x39: {  	_ = 	snop;
	(pc) =	sbr.ind lr, $3  }
0x3a: {  	_ = 	snop  }
0x3b: {  	_ = 	snop  }
0x3c: {  	p2 =	seq.s32 s10, $0x1;
	s10 =	sld [smem:$0x3FBB]  }
0x3d: {  	_ =	shalt  }
0x3e: {  	_ =	shalt  }
0x3f: {  	_ =	shalt  }
0x40: {  	_ =	shalt  }
0x41: {  	_ =	shalt  }
0x42: {  	_ =	shalt  }
0x43: {  	_ =	shalt  }
0x44: {  	_ =	shalt  }
0x45: {  	_ =	shalt  }
0x46: {  	_ =	shalt  }
0x47: {  	_ =	shalt  }
0x48: {  	_ =	shalt  }
0x49: {  	_ =	shalt  }
0x4a: {  	_ =	shalt  }
0x4b: {  	_ =	shalt  }
0x4c: {  	_ =	shalt  }
0x4d: {  	_ =	shalt  }
0x4e: {  	_ =	shalt  }
0x4f: {  	_ =	shalt  }
0x50: {  	_ =	shalt  }
0x51: {  	_ =	shalt  }
0x52: {  	_ =	shalt  }
0x53: {  	_ =	shalt  }
0x54: {  	_ =	shalt  }
0x55: {  	_ =	shalt  }
0x56: {  	_ =	shalt  }
0x57: {  	_ =	shalt  }
0x58: {  	_ =	shalt  }
0x59: {  	_ =	shalt  }
0x5a: {  	_ =	shalt  }
0x5b: {  	_ =	shalt  }
0x5c: {  	_ =	shalt  }
0x5d: {  	_ =	shalt  }
0x5e: {  	_ =	shalt  }
0x5f: {  	_ =	shalt  }
0x60: {  	_ =	shalt  }
0x61: {  	_ =	shalt  }
0x62: {  	_ =	shalt  }
0x63: {  	_ =	shalt  }
0x64: {  	_ =	shalt  }
0x65: {  	_ =	shalt  }
0x66: {  	_ =	shalt  }
0x67: {  	_ =	shalt  }
0x68: {  	_ =	shalt  }
0x69: {  	_ =	shalt  }
0x6a: {  	_ =	shalt  }
0x6b: {  	_ =	shalt  }
0x6c: {  	_ =	shalt  }
0x6d: {  	_ =	shalt  }
0x6e: {  	_ =	shalt  }
0x6f: {  	_ =	shalt  }
0x70: {  	_ =	shalt  }
0x71: {  	_ =	shalt  }
0x72: {  	_ =	shalt  }
0x73: {  	_ =	shalt  }
0x74: {  	_ =	shalt  }
0x75: {  	_ =	shalt  }
0x76: {  	_ =	shalt  }
0x77: {  	_ =	shalt  }
0x78: {  	_ =	shalt  }
0x79: {  	_ =	shalt  }
0x7a: {  	_ =	shalt  }
0x7b: {  	_ =	shalt  }
0x7c: {  	_ =	shalt  }
0x7d: {  	_ =	shalt  }
0x7e: {  	_ =	shalt  }
0x7f: {  	_ =	shalt  }
0x80: {  	_ =	shalt  }
0x81: {  	_ =	shalt  }
0x82: {  	_ =	shalt  }
0x83: {  	_ =	shalt  }
0x84: {  	_ =	shalt  }
0x85: {  	_ =	shalt  }
0x86: {  	_ =	shalt  }
0x87: {  	_ =	shalt  }
.Lfunc_end0:
.L_simem_size_0:
called_computation_lowered:
.L_overlay_start_0:
0x88: {  	s2 =	sld [smem:$0x3FD9]  }
0x89: {  	s3 =	sld [smem:$0x3FFE];
	_ =	sdelay $0x1  }
0x8a: {  	s1 =	srdreg.scid  }
0x8b: {  	s0 =	sand.u32 $0x1, s1  }
0x8c: {  	s18 =	sshll.u32 s0, $0xA;
	s2 =	sadd.s32 s3, s2  }
0x8d: {  	s2 =	sadd.s32 s2, s18  }
0x8e: {  	[smem:$0x3FC7] =	sst s2  }
0x8f: {  	_ = 	snop  }
0x90: {  	s2 =	sld [smem:$0x3FC9]  }
0x91: {  	s19 =	sld [smem:$0x3FD0];
	(tm) =	ssettm $0x1  }
0x92: {  	s4 =	sld [smem:$0x3FFB];
	_ =	sdelay $0x3  }
0x93: {  	_ =	strace s4  }
0x94: {  	s4 =	sld [smem:$0x3FFC];
	_ =	sdelay $0x3  }
0x95: {  	_ =	strace s4  }
0x96: {  	s4 =	sld [smem:$0x3FFD];
	_ =	sdelay $0x3  }
0x97: {  	_ =	strace s4  }
0x98: {  	_ =	strace $0x8FFFFFFF  }
0x99: {  	s20 =	sld [smem:$0x3FDB];
	_ =	sdelay $0x1  }
0x9a: {  	s5 =	simm.s32 $_scs_section_size  }
0x9b: {  	s6 =	simm.s32 $_size__tile_overlayer_lowered;
	s7 =	simm.s32 $_tile_overlayer_lowered  }
0x9c: {  	s23 =	simm.s32 $0x1BFF;
	s22 =	sshll.u32 s7, $0x1;
	s4 =	sadd.s32 s5, s20  }
0x9d: {  	s8 =	simm.s32 $0x0;
	s21 =	sshll.u32 s6, $0x1;
	s6 =	sadd.s32 s22, s4  }
0x9e: {  	[timem:s8], [sflag:s23] =	dma.local [hbm:s6], s21  }
0x9f: {  	_ =	swait.ge [sflag:s23], s21  }
0xa0: {  	s5 =	ssub.s32 $0x0, s21;
	[sflag:s23] =	ssyncset.done $0x0  }
0xa1: {  	[sflag:s23] =	ssyncadd.s32 s5;
	_ =	sdelay $0x1  }
0xa2: {  	s24 =	simm.s32 $0x1B8B  }
0xa3: {  	_ =	swait.ge [sflag:s24], $0x1  }
0xa4: {  	[sflag:s24] =	ssyncset.done $0x0  }
0xa5: {  	s25 =	simm.s32 $0x1B8E;
	[sflag:s24] =	ssyncadd.s32 $0xFFFFFFFF  }
0xa6: {  	s26 =	simm.s32 $execute0_lowered;
	[smem:$0x3FD2] =	sst s25  }
0xa7: {  	s5 =	sshll.u32 s26, $0x1;
	_ =	strace $0x80000046;
	[dreg:$0x1] =	wrdreg $0xFFFFFFFF  }
0xa8: {  	s28 =	simm.s32 $_size_execute0_lowered;
	s4 =	sadd.s32 s4, s5;
	[dreg:$0x0] =	wrdreg $0x0  }
0xa9: {  	s5 =	sshll.u32 s28, $0x1;
	[dreg:$0x2] =	wrdreg s4  }
0xaa: {  	[dreg:$0x3] =	wrdreg s5  }
0xab: {  	[dreg:$0x4] =	wrdreg $0xC0  }
0xac: {  	_ =	task [dreg:s8], $0x5FFFF  }
0xad: {  	[dreg:$0x1] =	wrdreg $0xFFFFFFFF  }
0xae: {  	[dreg:$0x0] =	wrdreg $0x60  }
0xaf: {  	[dreg:$0x2] =	wrdreg s2  }
0xb0: {  	[dreg:$0x3] =	wrdreg s19  }
0xb1: {  	[dreg:$0x4] =	wrdreg $0x188800  }
0xb2: {  	[dreg:$0x5] =	wrdreg $0x9  }
0xb3: {  	_ =	task.clear_ibuf [dreg:s8], $0x6FFFF;
	_ =	strace $0x90000046  }
0xb4: {  	s29 =	simm.s32 $0x9;
	_ =	strace $0x80000048  }
0xb5: {  	_ =	swait.ge [sflag:s29], $0x1  }
0xb6: {  	[sflag:s29] =	ssyncadd.s32 $0xFFFFFFFF  }
0xb7: {  	_ =	strace $0x90000048  }
0xb8: {  	_ =	sfence  }
0xb9: {  	s30 =	sld [smem:$0x0];
	_ =	sdelay $0x2  }
0xba: {  	s31 =	sshll.u32 s1, $0xD;
	s1 =	sshrl.u32 s1, $0x2  }
0xbb: {  	s3 =	sand.u32 $0x4000, s31;
	s1 =	sadd.s32 s1, s30  }
0xbc: {  	s0 =	sor.u32 s3, s0;
	s1 =	sshll.u32 s1, $0x11  }
0xbd: {  	s0 =	sor.u32 s1, s0  }
0xbe: {  	s0 =	sadd.s32 $0x8F2B, s0  }
0xbf: {  	[sflag:s0] =	ssyncadd.remote.s32 $0x1  }
0xc0: {  	_ =	sfence.sel $0xFFFF  }
0xc1: {  	[dreg:$0x0] =	wrdreg $0xFFFFFFFF;
	(pc) =	sbr.abs _section_cstart, $3  }
0xc2: {  	[dreg:$0x1] =	wrdreg $0xFFFFFFFF  }
0xc3: {  	_ =	task.clear_ibuf [dreg:s8], $0x2FFFF;
	_ =	strace $0x9FFFFFFF  }
0xc4: {  	(tm) =	ssettm $0x7FFFFFFF  }
0xc5: {  	_ =	shalt  }
tec
execute0_lowered:
.L_overlay_start_1:
0x0: {  	(tag) =	ssettag $0x1  }
0x1: {  	v0 =	vimm.s32 $0xEFCDAB89;
	v1 =	vimm.s32 $0x67452301;
	v2 =	vimm.s32 $0xDCFE98BA  }
0x2: {  	v3 =	vimm.s32 $0x54761032;
	v0 =	vunpack.c.l.s4.s8 v0;
	v1 =	vunpack.c.l.s4.s8 v1  }
0x3: {  	v4 =	vimm.s32 $0x32107654;
	v5 =	vimm.f32 $1.500000000e+01;
	vm0 =	vcmask $0x300  }
0x4: {  	vm14 =	vcmask $0x704;
	v0 =	vunpack.c.0.s8.s32 v0;
	v1 =	vunpack.c.0.s8.s32 v1  }
0x5: {  	vm15 =	vcmask $0xB08;
	vm4 =	vcmask $0xF0C;
	v2 =	vunpack.c.l.s4.s8 v2  }
0x6: {  	s10 =	rddreg [dreg:$0x0];
	v3 =	vunpack.c.l.s4.s8 v3;
	v1 =	vcombine.low v1, v0;
	v0 =	vimm.s32 $0xBA98FEDC  }
0x7: {  	s0 =	rddreg [dreg:$0x1];
	v4 =	vunpack.c.l.s4.s8 v4;
	v5 =	vsel vm0, $0x0, v5;
	v0 =	vunpack.c.l.s4.s8 v0  }
0x8: {  	s2 =	rddreg [dreg:$0x2];
	s3 =	simm.s32 $0x0;
	s5 =	srdreg.scid;
	v5 =	vsel vm14, $0x3F800000, v5;
	v2 =	vunpack.c.0.s8.s32 v2;
	v3 =	vunpack.c.0.s8.s32 v3  }
0x9: {  	s4 =	stileid.u32;
	s15 =	simm.s32 $0x2;
	s16 =	simm.s32 $0x3;
	v4 =	vunpack.c.0.s8.s32 v4;
	v5 =	vsel vm15, $0x40000000, v5;
	v0 =	vunpack.c.0.s8.s32 v0  }
0xa: {  	vm5 =	vcmask $0x1310;
	s17 =	simm.s32 $0x1;
	s18 =	simm.s32 $0x18000;
	s19 =	simm.s32 $0x5;
	v2 =	vcombine.low v3, v2;
	v3 =	vsel vm4, $0x40400000, v5  }
0xb: {  	vm6 =	vcmask $0x1714;
	s20 =	simm.s32 $0x18080;
	s21 =	simm.s32 $0x4;
	s22 =	simm.s32 $0x0;
	v4 =	vcombine.low v4, v0;
	v0 =	vsel vm5, $0x40800000, v3  }
0xc: {  	vm7 =	vcmask $0x1B18;
	vm8 =	vcmask $0x1F1C;
	[smem:$0x7FF] =	sst s3;
	s5 =	sand.u32 $0x1, s5;
	s11 =	sshll.u32 s4, $0x9;
	v0 =	vsel vm6, $0x40A00000, v0  }
0xd: {  	vm9 =	vcmask $0x2320;
	s6 =	ssub.s32 $0x2, s5;
	s5 =	sshll.u32 s5, $0x8;
	_ =	strace $0x80000047;
	v5 =	vimm.s32 $0xFEDCBA98;
	v0 =	vsel vm7, $0x40C00000, v0  }
0xe: {  	s7 =	sshrl.u32 s6, $0x1;
	s8 =	ssub.s32 s11, s5;
	s5 =	sor.u32 s5, s11;
	v5 =	vunpack.c.l.s4.s8 v5;
	v3 =	vimm.s32 $0x76543210;
	v0 =	vsel vm8, $0x40E00000, v0  }
0xf: {  	vm10 =	vcmask $0x2724;
	s11 =	sshrl.u32 s11, $0x2;
	s12 =	ssub.s32 s6, s7;
	s26 =	sshll.u32 s8, $0x5;
	v3 =	vunpack.c.l.s4.s8 v3;
	v0 =	vsel vm9, $0x41000000, v0  }
0x10: {  	vm11 =	vcmask $0x2B28;
	s28 =	sshll.u32 s5, $0x5;
	s8 =	sshll.u32 s8, $0x8;
	s11 =	sadd.s32 s11, s2;
	v5 =	vunpack.c.0.s8.s32 v5;
	v0 =	vsel vm10, $0x41100000, v0  }
0x11: {  	vm12 =	vcmask $0x2F2C;
	s9 =	sadd.s32 s26, s10;
	s6 =	sadd.s32 s10, s28;
	s29 =	sadd.s32 $0x14000, s8;
	v3 =	vunpack.c.0.s8.s32 v3;
	v0 =	vsel vm11, $0x41200000, v0  }
0x12: {  	vm13 =	vcmask $0x3330;
	s13 =	sadd.s32 $0x18000, s8;
	s14 =	sadd.s32 $0x1C000, s8;
	s12 =	smax.u32 s12, $0x1;
	v5 =	vand.u32 $0xF, v5;
	v6 =	vsel vm12, $0x41300000, v0  }
0x13: {  	vm14 =	vcmask $0x3734;
	s7 =	sadd.s32 $0x2000, s9;
	s9 =	sshrl.u32 s29, $0x3;
	s30 =	sshrl.u32 s13, $0x3;
	v0 =	vcombine.low v5, v3;
	v3 =	vsel vm13, $0x41400000, v6  }
0x14: {  	vm15 =	vcmask $0x3B38;
	s31 =	sshrl.u32 s14, $0x3;
	s13 =	simm.s32 $0x10000;
	s14 =	simm.s32 $0x14000;
	v1 =	vand.u32 $0xF, v1;
	v5 =	vsel vm14, $0x41500000, v3  }
0x15: {  	s8 =	sadd.s32 s10, s9;
	s9 =	sadd.s32 s10, s30;
	s10 =	sadd.s32 s10, s31;
	v2 =	vand.u32 $0xF, v2;
	v3 =	vand.u32 $0xF, v4;
	v4 =	vsel vm15, $0x41600000, v5  }
.LBB2_1:
0x16: {  	[tilespmem:s3], [sflag:$0x1] =	stream.linear.gather [hbm4b:s6+s3], $0x10000, $0x38;
	[tilespmem:$0x18900] =	vst v63  }
0x17: {  	_ = 	snop  }
0x18: {  	[tilespmem:s13], [sflag:$0x2] =	stream.linear.gather [hbm4b:s7+s3], $0x4000, $0x38;
	[tilespmem:$0x18900] =	vst v63  }
0x19: {  	_ = 	snop  }
0x1a: {  	[tilespmem:s14], [sflag:$0x3] =	stream.linear.gather [hbm4b:s8+s3], $0x4000, $0x38;
	[tilespmem:$0x18900] =	vst v63  }
0x1b: {  	_ =	swait.ge [sflag:s15], $0x4000  }
0x1c: {  	s23 =	sand.u32 $0x3800, s3;
	s24 =	sand.u32 $0x380, s3;
	[sflag:s15] =	ssyncset.done $0x0  }
0x1d: {  	s25 =	sor.u32 s24, s23;
	[sflag:s15] =	ssyncadd.s32 $0xFFFFC000  }
0x1e: {  	v7 =	vld [tilespmem:s25+$0x10400]  }
0x1f: {  	v8 =	vld [tilespmem:s25+$0x10410]  }
0x20: {  	v16 =	vld [tilespmem:s25+$0x10420]  }
0x21: {  	v10 =	vld [tilespmem:s25+$0x10000]  }
0x22: {  	v11 =	vld [tilespmem:s25+$0x10010]  }
0x23: {  	v13 =	vld [tilespmem:s25+$0x10020]  }
0x24: {  	v14 =	vld [tilespmem:s25+$0x10030]  }
0x25: {  	v15 =	vld [tilespmem:s25+$0x10040]  }
0x26: {  	v17 =	vld [tilespmem:s25+$0x10050]  }
0x27: {  	s31 =	simm.s32 $0x100;
	s23 =	simm.s32 $0x80;
	v18 =	vld [tilespmem:s25+$0x10060]  }
0x28: {  	s24 =	sand.u32 $0x3800, s31;
	s26 =	sand.u32 $0x380, s23;
	v19 =	vld [tilespmem:s25+$0x10070]  }
0x29: {  	s24 =	sor.u32 s26, s24;
	v20 =	vld [tilespmem:s25+$0x10430]  }
0x2a: {  	v5 =	vimm.f32 $+Inf;
	v9 =	vld [tilespmem:s24+$0x10400]  }
0x2b: {  	v12 =	vld [tilespmem:s24+$0x10410];
	v6 =	vmin.f32 v10, v11;
	v22 =	vmin.f32 v13, v14;
	v23 =	vmin.f32 v7, v8  }
0x2c: {  	v24 =	vmin.f32 v15, v17;
	v25 =	vmax.f32 v10, v11;
	v7 =	vmax.f32 v7, v8;
	v10 =	vld [tilespmem:s24+$0x10000]  }
0x2d: {  	v8 =	vmax.f32 v13, v14;
	v13 =	vmax.f32 v15, v17;
	v14 =	vmax.f32 v18, v19;
	v11 =	vld [tilespmem:s24+$0x10010]  }
0x2e: {  	v15 =	vmax.f32 v16, v20;
	v17 =	vmin.f32 v18, v19;
	v18 =	vmin.f32 v16, v20;
	v16 =	vld [tilespmem:s24+$0x10050]  }
0x2f: {  	v21 =	vimm.f32 $-Inf;
	v8 =	vmax.f32 v25, v8;
	v14 =	vmax.f32 v13, v14;
	v13 =	vld [tilespmem:s24+$0x10020]  }
0x30: {  	v22 =	vmin.f32 v6, v22;
	v15 =	vmax.f32 v7, v15;
	v8 =	vmax.f32 v8, v14;
	v14 =	vld [tilespmem:s24+$0x10030]  }
0x31: {  	v6 =	vld [tilespmem:s24+$0x10420];
	v7 =	vmin.f32 v9, v12;
	v17 =	vmin.f32 v24, v17;
	v8 =	vmax.f32 v8, v15  }
0x32: {  	s25 =	simm.s32 $0x200;
	v18 =	vmin.f32 v23, v18;
	v17 =	vmin.f32 v22, v17;
	v15 =	vld [tilespmem:s24+$0x10040];
	v8 =	vmax.f32 v21, v8  }
.LBB2_2:
0x33: {  	p0 =	sne.s32 s25, $0x3F00;
	v19 =	vld [tilespmem:s24+$0x10060];
	v20 =	vmin.f32 v10, v11;
	s23 =	sadd.s32 $0x80, s23;
	v17 =	vmin.f32 v17, v18  }
0x34: {  	s26 =	sand.u32 $0x3800, s25;
	s28 =	sand.u32 $0x380, s23;
	v18 =	vld [tilespmem:s24+$0x10070];
	v5 =	vmin.f32 v5, v17  }
0x35: {  	v17 =	vld [tilespmem:s24+$0x10430];
	s24 =	sor.u32 s28, s26;
	v21 =	vmin.f32 v13, v14  }
0x36: {  	v22 =	vld [tilespmem:s24+$0x10400];
	v20 =	vmin.f32 v20, v21  }
0x37: {  	v21 =	vld [tilespmem:s24+$0x10410];
	v23 =	vmin.f32 v15, v16  }
0x38: {  	v25 =	vmax.f32 v10, v11;
	v9 =	vmax.f32 v9, v12;
	v24 =	vld [tilespmem:s24+$0x10420]  }
0x39: {  	v12 =	vmax.f32 v13, v14;
	v13 =	vmax.f32 v15, v16;
	v10 =	vld [tilespmem:s24+$0x10000];
	v14 =	vmax.f32 v19, v18  }
.Ltmp0:
0x3a: {  	v26 =	vmax.f32 v25, v12;
	v11 =	vld [tilespmem:s24+$0x10010];
	v15 =	vmax.f32 v6, v17;
	v14 =	vmax.f32 v13, v14;
	(pc) =	sbr.rel @p0 .LBB2_2-.Ltmp0, $4  }
0x3b: {  	v16 =	vmin.f32 v19, v18;
	v13 =	vld [tilespmem:s24+$0x10020];
	v15 =	vmax.f32 v9, v15;
	v25 =	vmax.f32 v26, v14;
	v9 =	vmovc v22  }
0x3c: {  	v16 =	vmin.f32 v23, v16;
	v14 =	vld [tilespmem:s24+$0x10030];
	v19 =	vmin.f32 v9, v21;
	v18 =	vmax.f32 v25, v15;
	v12 =	vmovc v21  }
0x3d: {  	v21 =	vmin.f32 v6, v17;
	v17 =	vmin.f32 v20, v16;
	v15 =	vld [tilespmem:s24+$0x10040];
	v8 =	vmax.f32 v8, v18;
	v6 =	vmovc v24  }
0x3e: {  	s25 =	sadd.s32 $0x100, s25;
	v18 =	vmin.f32 v7, v21;
	v7 =	vmov v19;
	v16 =	vld [tilespmem:s24+$0x10050]  }
0x3f: {  	v19 =	vld [tilespmem:s24+$0x10060]  }
0x40: {  	v20 =	vld [tilespmem:s24+$0x10070];
	s23 =	simm.s32 $0x0  }
0x41: {  	v21 =	vld [tilespmem:s24+$0x10430];
	[tilespmem:s13], [sflag:$0x2] =	stream.linear.gather [hbm4b:s9+s23], $0x4000, $0x38  }
0x42: {  	_ =	swait.ge [sflag:s16], $0x4000  }
0x43: {  	s30 =	sand.u32 $0x3800, s23;
	s23 =	sand.u32 $0x380, s23;
	[sflag:s16] =	ssyncset.done $0x0  }
0x44: {  	s25 =	sor.u32 s23, s30;
	[sflag:s16] =	ssyncadd.s32 $0xFFFFC000  }
0x45: {  	v22 =	vld [tilespmem:s25+$0x14400]  }
0x46: {  	v23 =	vld [tilespmem:s25+$0x14410]  }
0x47: {  	v24 =	vld [tilespmem:s25+$0x14420]  }
0x48: {  	v25 =	vld [tilespmem:s25+$0x14000]  }
0x49: {  	v26 =	vld [tilespmem:s25+$0x14010]  }
0x4a: {  	v27 =	vmin.f32 v10, v11;
	v17 =	vmin.f32 v17, v18;
	v10 =	vmax.f32 v10, v11;
	v28 =	vld [tilespmem:s25+$0x14020]  }
0x4b: {  	v9 =	vmax.f32 v9, v12;
	v18 =	vmin.f32 v13, v14;
	v12 =	vmax.f32 v13, v14;
	v11 =	vld [tilespmem:s25+$0x14030]  }
0x4c: {  	v18 =	vmin.f32 v27, v18;
	v10 =	vmax.f32 v10, v12;
	v59 =	vmin.f32 v15, v16;
	v14 =	vld [tilespmem:s25+$0x14040]  }
0x4d: {  	v13 =	vmax.f32 v15, v16;
	v15 =	vmax.f32 v19, v20;
	v16 =	vmax.f32 v6, v21;
	v29 =	vld [tilespmem:s25+$0x14050]  }
0x4e: {  	s31 =	simm.s32 $0x100;
	s23 =	simm.s32 $0x80;
	v6 =	vmin.f32 v6, v21;
	v12 =	vmax.f32 v13, v15;
	v13 =	vmin.f32 v19, v20;
	v15 =	vld [tilespmem:s25+$0x14060]  }
0x4f: {  	s24 =	sand.u32 $0x3800, s31;
	s26 =	sand.u32 $0x380, s23;
	v9 =	vmax.f32 v9, v16;
	v16 =	vld [tilespmem:s25+$0x14070];
	v10 =	vmax.f32 v10, v12;
	v12 =	vmin.f32 v59, v13  }
0x50: {  	s24 =	sor.u32 s26, s24;
	v6 =	vmin.f32 v7, v6;
	v9 =	vmax.f32 v10, v9;
	v10 =	vmin.f32 v18, v12;
	v18 =	vld [tilespmem:s25+$0x14430]  }
0x51: {  	v5 =	vmin.f32 v5, v17;
	v12 =	vld [tilespmem:s24+$0x14410];
	v8 =	vmax.f32 v8, v9;
	v6 =	vmin.f32 v10, v6  }
0x52: {  	v9 =	vld [tilespmem:s24+$0x14400];
	v5 =	vmin.f32 v5, v6;
	v6 =	vmin.f32 v25, v26;
	v7 =	vmin.f32 v28, v11  }
0x53: {  	v10 =	vld [tilespmem:s24+$0x14000];
	v19 =	vmin.f32 v22, v23;
	v20 =	vmin.f32 v14, v29;
	v60 =	vmax.f32 v22, v23  }
0x54: {  	v13 =	vmax.f32 v28, v11;
	v14 =	vmax.f32 v14, v29;
	v11 =	vld [tilespmem:s24+$0x14010];
	v17 =	vmin.f32 v6, v7  }
0x55: {  	v6 =	vld [tilespmem:s24+$0x14420];
	v7 =	vmax.f32 v25, v26;
	v61 =	vmax.f32 v15, v16;
	v15 =	vmin.f32 v15, v16  }
0x56: {  	v7 =	vmax.f32 v7, v13;
	v14 =	vmax.f32 v14, v61;
	v13 =	vld [tilespmem:s24+$0x14020];
	v62 =	vmax.f32 v24, v18  }
0x57: {  	v20 =	vmin.f32 v20, v15;
	v63 =	vmax.f32 v7, v14;
	v14 =	vld [tilespmem:s24+$0x14030];
	v16 =	vmax.f32 v60, v62  }
0x58: {  	v15 =	vld [tilespmem:s24+$0x14040];
	v18 =	vmin.f32 v24, v18;
	v17 =	vmin.f32 v17, v20;
	v16 =	vmax.f32 v63, v16  }
0x59: {  	s25 =	simm.s32 $0x200;
	v7 =	vmin.f32 v9, v12;
	v18 =	vmin.f32 v19, v18;
	v8 =	vmax.f32 v8, v16;
	v16 =	vld [tilespmem:s24+$0x14050]  }
.LBB2_4:
0x5a: {  	p0 =	sne.s32 s25, $0x3F00;
	v19 =	vld [tilespmem:s24+$0x14060];
	v20 =	vmin.f32 v10, v11;
	s23 =	sadd.s32 $0x80, s23;
	v17 =	vmin.f32 v17, v18  }
0x5b: {  	s26 =	sand.u32 $0x3800, s25;
	s28 =	sand.u32 $0x380, s23;
	v18 =	vld [tilespmem:s24+$0x14070];
	v5 =	vmin.f32 v5, v17  }
0x5c: {  	v17 =	vld [tilespmem:s24+$0x14430];
	s24 =	sor.u32 s28, s26;
	v21 =	vmin.f32 v13, v14  }
0x5d: {  	v22 =	vld [tilespmem:s24+$0x14400];
	v20 =	vmin.f32 v20, v21  }
0x5e: {  	v21 =	vld [tilespmem:s24+$0x14410];
	v23 =	vmin.f32 v15, v16  }
0x5f: {  	v25 =	vmax.f32 v10, v11;
	v9 =	vmax.f32 v9, v12;
	v24 =	vld [tilespmem:s24+$0x14420]  }
0x60: {  	v12 =	vmax.f32 v13, v14;
	v13 =	vmax.f32 v15, v16;
	v10 =	vld [tilespmem:s24+$0x14000];
	v14 =	vmax.f32 v19, v18  }
.Ltmp1:
0x61: {  	v26 =	vmax.f32 v25, v12;
	v11 =	vld [tilespmem:s24+$0x14010];
	v15 =	vmax.f32 v6, v17;
	v14 =	vmax.f32 v13, v14;
	(pc) =	sbr.rel @p0 .LBB2_4-.Ltmp1, $4  }
0x62: {  	v16 =	vmin.f32 v19, v18;
	v13 =	vld [tilespmem:s24+$0x14020];
	v15 =	vmax.f32 v9, v15;
	v25 =	vmax.f32 v26, v14;
	v9 =	vmovc v22  }
0x63: {  	v16 =	vmin.f32 v23, v16;
	v14 =	vld [tilespmem:s24+$0x14030];
	v19 =	vmin.f32 v9, v21;
	v18 =	vmax.f32 v25, v15;
	v12 =	vmovc v21  }
0x64: {  	v21 =	vmin.f32 v6, v17;
	v17 =	vmin.f32 v20, v16;
	v15 =	vld [tilespmem:s24+$0x14040];
	v8 =	vmax.f32 v8, v18;
	v6 =	vmovc v24  }
0x65: {  	s25 =	sadd.s32 $0x100, s25;
	v18 =	vmin.f32 v7, v21;
	v7 =	vmov v19;
	v16 =	vld [tilespmem:s24+$0x14050]  }
0x66: {  	v19 =	vld [tilespmem:s24+$0x14060]  }
0x67: {  	v20 =	vld [tilespmem:s24+$0x14070];
	s23 =	simm.s32 $0x0  }
0x68: {  	v21 =	vld [tilespmem:s24+$0x14430];
	[tilespmem:s14], [sflag:$0x3] =	stream.linear.gather [hbm4b:s10+s23], $0x4000, $0x38  }
0x69: {  	_ =	swait.ge [sflag:s15], $0x4000  }
0x6a: {  	s30 =	sand.u32 $0x3800, s23;
	s23 =	sand.u32 $0x380, s23;
	[sflag:s15] =	ssyncset.done $0x0  }
0x6b: {  	s25 =	sor.u32 s23, s30;
	[sflag:s15] =	ssyncadd.s32 $0xFFFFC000  }
0x6c: {  	v22 =	vld [tilespmem:s25+$0x10400]  }
0x6d: {  	v23 =	vld [tilespmem:s25+$0x10410]  }
0x6e: {  	v24 =	vld [tilespmem:s25+$0x10420]  }
0x6f: {  	v25 =	vld [tilespmem:s25+$0x10000]  }
0x70: {  	v26 =	vld [tilespmem:s25+$0x10010]  }
0x71: {  	v27 =	vmin.f32 v10, v11;
	v17 =	vmin.f32 v17, v18;
	v10 =	vmax.f32 v10, v11;
	v28 =	vld [tilespmem:s25+$0x10020]  }
0x72: {  	v9 =	vmax.f32 v9, v12;
	v18 =	vmin.f32 v13, v14;
	v12 =	vmax.f32 v13, v14;
	v11 =	vld [tilespmem:s25+$0x10030]  }
0x73: {  	v18 =	vmin.f32 v27, v18;
	v10 =	vmax.f32 v10, v12;
	v59 =	vmin.f32 v15, v16;
	v14 =	vld [tilespmem:s25+$0x10040]  }
0x74: {  	v13 =	vmax.f32 v15, v16;
	v15 =	vmax.f32 v19, v20;
	v16 =	vmax.f32 v6, v21;
	v29 =	vld [tilespmem:s25+$0x10050]  }
0x75: {  	s31 =	simm.s32 $0x100;
	s23 =	simm.s32 $0x80;
	v6 =	vmin.f32 v6, v21;
	v12 =	vmax.f32 v13, v15;
	v13 =	vmin.f32 v19, v20;
	v15 =	vld [tilespmem:s25+$0x10060]  }
0x76: {  	s24 =	sand.u32 $0x3800, s31;
	s26 =	sand.u32 $0x380, s23;
	v9 =	vmax.f32 v9, v16;
	v16 =	vld [tilespmem:s25+$0x10070];
	v10 =	vmax.f32 v10, v12;
	v12 =	vmin.f32 v59, v13  }
0x77: {  	s24 =	sor.u32 s26, s24;
	v6 =	vmin.f32 v7, v6;
	v9 =	vmax.f32 v10, v9;
	v10 =	vmin.f32 v18, v12;
	v18 =	vld [tilespmem:s25+$0x10430]  }
0x78: {  	v5 =	vmin.f32 v5, v17;
	v12 =	vld [tilespmem:s24+$0x10410];
	v8 =	vmax.f32 v8, v9;
	v6 =	vmin.f32 v10, v6  }
0x79: {  	v9 =	vld [tilespmem:s24+$0x10400];
	v5 =	vmin.f32 v5, v6;
	v6 =	vmin.f32 v25, v26;
	v7 =	vmin.f32 v28, v11  }
0x7a: {  	v10 =	vld [tilespmem:s24+$0x10000];
	v19 =	vmin.f32 v22, v23;
	v20 =	vmin.f32 v14, v29;
	v60 =	vmax.f32 v22, v23  }
0x7b: {  	v13 =	vmax.f32 v28, v11;
	v14 =	vmax.f32 v14, v29;
	v11 =	vld [tilespmem:s24+$0x10010];
	v17 =	vmin.f32 v6, v7  }
0x7c: {  	v6 =	vld [tilespmem:s24+$0x10420];
	v7 =	vmax.f32 v25, v26;
	v61 =	vmax.f32 v15, v16;
	v15 =	vmin.f32 v15, v16  }
0x7d: {  	v7 =	vmax.f32 v7, v13;
	v14 =	vmax.f32 v14, v61;
	v13 =	vld [tilespmem:s24+$0x10020];
	v62 =	vmax.f32 v24, v18  }
0x7e: {  	v20 =	vmin.f32 v20, v15;
	v63 =	vmax.f32 v7, v14;
	v14 =	vld [tilespmem:s24+$0x10030];
	v16 =	vmax.f32 v60, v62  }
0x7f: {  	v15 =	vld [tilespmem:s24+$0x10040];
	v18 =	vmin.f32 v24, v18;
	v17 =	vmin.f32 v17, v20;
	v16 =	vmax.f32 v63, v16  }
0x80: {  	s25 =	simm.s32 $0x200;
	v7 =	vmin.f32 v9, v12;
	v18 =	vmin.f32 v19, v18;
	v8 =	vmax.f32 v8, v16;
	v16 =	vld [tilespmem:s24+$0x10050]  }
.LBB2_6:
0x81: {  	p0 =	sne.s32 s25, $0x3F00;
	v19 =	vld [tilespmem:s24+$0x10060];
	v20 =	vmin.f32 v10, v11;
	s23 =	sadd.s32 $0x80, s23;
	v17 =	vmin.f32 v17, v18  }
0x82: {  	s26 =	sand.u32 $0x3800, s25;
	s28 =	sand.u32 $0x380, s23;
	v18 =	vld [tilespmem:s24+$0x10070];
	v5 =	vmin.f32 v5, v17  }
0x83: {  	v17 =	vld [tilespmem:s24+$0x10430];
	s24 =	sor.u32 s28, s26;
	v21 =	vmin.f32 v13, v14  }
0x84: {  	v22 =	vld [tilespmem:s24+$0x10400];
	v20 =	vmin.f32 v20, v21  }
0x85: {  	v21 =	vld [tilespmem:s24+$0x10410];
	v23 =	vmin.f32 v15, v16  }
0x86: {  	v25 =	vmax.f32 v10, v11;
	v9 =	vmax.f32 v9, v12;
	v24 =	vld [tilespmem:s24+$0x10420]  }
0x87: {  	v12 =	vmax.f32 v13, v14;
	v13 =	vmax.f32 v15, v16;
	v10 =	vld [tilespmem:s24+$0x10000];
	v14 =	vmax.f32 v19, v18  }
.Ltmp2:
0x88: {  	v26 =	vmax.f32 v25, v12;
	v11 =	vld [tilespmem:s24+$0x10010];
	v15 =	vmax.f32 v6, v17;
	v14 =	vmax.f32 v13, v14;
	(pc) =	sbr.rel @p0 .LBB2_6-.Ltmp2, $4  }
0x89: {  	v16 =	vmin.f32 v19, v18;
	v13 =	vld [tilespmem:s24+$0x10020];
	v15 =	vmax.f32 v9, v15;
	v25 =	vmax.f32 v26, v14;
	v9 =	vmovc v22  }
0x8a: {  	v16 =	vmin.f32 v23, v16;
	v14 =	vld [tilespmem:s24+$0x10030];
	v19 =	vmin.f32 v9, v21;
	v18 =	vmax.f32 v25, v15;
	v12 =	vmovc v21  }
0x8b: {  	v21 =	vmin.f32 v6, v17;
	v17 =	vmin.f32 v20, v16;
	v15 =	vld [tilespmem:s24+$0x10040];
	v8 =	vmax.f32 v8, v18;
	v6 =	vmovc v24  }
0x8c: {  	s25 =	sadd.s32 $0x100, s25;
	v18 =	vmin.f32 v7, v21;
	v7 =	vmov v19;
	v16 =	vld [tilespmem:s24+$0x10050]  }
0x8d: {  	v19 =	vld [tilespmem:s24+$0x10060]  }
0x8e: {  	v20 =	vld [tilespmem:s24+$0x10070]  }
0x8f: {  	v21 =	vld [tilespmem:s24+$0x10430];
	_ =	swait.ge [sflag:s16], $0x4000;
	s23 =	simm.s32 $0x0  }
0x90: {  	[sflag:s16] =	ssyncset.done $0x0;
	s30 =	sand.u32 $0x3800, s23;
	s23 =	sand.u32 $0x380, s23  }
0x91: {  	[sflag:s16] =	ssyncadd.s32 $0xFFFFC000;
	s25 =	sor.u32 s23, s30  }
0x92: {  	v22 =	vld [tilespmem:s25+$0x14400]  }
0x93: {  	v23 =	vld [tilespmem:s25+$0x14410]  }
0x94: {  	v24 =	vld [tilespmem:s25+$0x14420]  }
0x95: {  	v25 =	vld [tilespmem:s25+$0x14000]  }
0x96: {  	v26 =	vld [tilespmem:s25+$0x14010]  }
0x97: {  	v27 =	vmin.f32 v10, v11;
	v17 =	vmin.f32 v17, v18;
	v10 =	vmax.f32 v10, v11;
	v28 =	vld [tilespmem:s25+$0x14020]  }
0x98: {  	v9 =	vmax.f32 v9, v12;
	v18 =	vmin.f32 v13, v14;
	v12 =	vmax.f32 v13, v14;
	v11 =	vld [tilespmem:s25+$0x14030]  }
0x99: {  	v5 =	vmin.f32 v5, v17;
	v18 =	vmin.f32 v27, v18;
	v14 =	vld [tilespmem:s25+$0x14040];
	v10 =	vmax.f32 v10, v12  }
0x9a: {  	v29 =	vld [tilespmem:s25+$0x14050];
	v59 =	vmin.f32 v15, v16;
	v13 =	vmax.f32 v15, v16;
	v15 =	vmax.f32 v19, v20  }
0x9b: {  	s31 =	simm.s32 $0x100;
	s23 =	simm.s32 $0x80;
	v16 =	vmax.f32 v6, v21;
	v12 =	vmax.f32 v13, v15;
	v13 =	vmin.f32 v19, v20;
	v15 =	vld [tilespmem:s25+$0x14060]  }
0x9c: {  	s24 =	sand.u32 $0x3800, s31;
	s26 =	sand.u32 $0x380, s23;
	v9 =	vmax.f32 v9, v16;
	v16 =	vld [tilespmem:s25+$0x14070];
	v10 =	vmax.f32 v10, v12;
	v12 =	vmin.f32 v59, v13  }
0x9d: {  	s24 =	sor.u32 s26, s24;
	v6 =	vmin.f32 v6, v21;
	v9 =	vmax.f32 v10, v9;
	v10 =	vmin.f32 v18, v12;
	v18 =	vld [tilespmem:s25+$0x14430]  }
0x9e: {  	v6 =	vmin.f32 v7, v6;
	v7 =	vmin.f32 v28, v11;
	v12 =	vld [tilespmem:s24+$0x14410];
	v19 =	vmin.f32 v22, v23  }
0x9f: {  	v20 =	vmin.f32 v14, v29;
	v13 =	vmax.f32 v28, v11;
	v11 =	vld [tilespmem:s24+$0x14010];
	v6 =	vmin.f32 v10, v6  }
0xa0: {  	v8 =	vmax.f32 v8, v9;
	v9 =	vld [tilespmem:s24+$0x14400];
	v5 =	vmin.f32 v5, v6;
	v6 =	vmin.f32 v25, v26  }
0xa1: {  	v60 =	vmax.f32 v22, v23;
	v14 =	vmax.f32 v14, v29;
	v10 =	vld [tilespmem:s24+$0x14000];
	v17 =	vmin.f32 v6, v7  }
0xa2: {  	v6 =	vld [tilespmem:s24+$0x14420];
	v7 =	vmax.f32 v25, v26;
	v61 =	vmax.f32 v15, v16;
	v15 =	vmin.f32 v15, v16  }
0xa3: {  	v7 =	vmax.f32 v7, v13;
	v14 =	vmax.f32 v14, v61;
	v13 =	vld [tilespmem:s24+$0x14020];
	v62 =	vmax.f32 v24, v18  }
0xa4: {  	v20 =	vmin.f32 v20, v15;
	v63 =	vmax.f32 v7, v14;
	v14 =	vld [tilespmem:s24+$0x14030];
	v16 =	vmax.f32 v60, v62  }
0xa5: {  	v15 =	vld [tilespmem:s24+$0x14040];
	v18 =	vmin.f32 v24, v18;
	v17 =	vmin.f32 v17, v20;
	v16 =	vmax.f32 v63, v16  }
0xa6: {  	s25 =	simm.s32 $0x200;
	v7 =	vmin.f32 v9, v12;
	v18 =	vmin.f32 v19, v18;
	v8 =	vmax.f32 v8, v16;
	v16 =	vld [tilespmem:s24+$0x14050]  }
.LBB2_8:
0xa7: {  	p0 =	sne.s32 s25, $0x3F00;
	v19 =	vld [tilespmem:s24+$0x14060];
	v20 =	vmin.f32 v10, v11;
	s23 =	sadd.s32 $0x80, s23;
	v17 =	vmin.f32 v17, v18  }
0xa8: {  	s26 =	sand.u32 $0x3800, s25;
	s28 =	sand.u32 $0x380, s23;
	v18 =	vld [tilespmem:s24+$0x14070];
	v5 =	vmin.f32 v5, v17  }
0xa9: {  	v17 =	vld [tilespmem:s24+$0x14430];
	s24 =	sor.u32 s28, s26;
	v21 =	vmin.f32 v13, v14  }
0xaa: {  	v22 =	vld [tilespmem:s24+$0x14400];
	v20 =	vmin.f32 v20, v21  }
0xab: {  	v21 =	vld [tilespmem:s24+$0x14410];
	v23 =	vmin.f32 v15, v16  }
0xac: {  	v25 =	vmax.f32 v10, v11;
	v9 =	vmax.f32 v9, v12;
	v24 =	vld [tilespmem:s24+$0x14420]  }
0xad: {  	v12 =	vmax.f32 v13, v14;
	v13 =	vmax.f32 v15, v16;
	v10 =	vld [tilespmem:s24+$0x14000];
	v14 =	vmax.f32 v19, v18  }
.Ltmp3:
0xae: {  	v26 =	vmax.f32 v25, v12;
	v11 =	vld [tilespmem:s24+$0x14010];
	v15 =	vmax.f32 v6, v17;
	v14 =	vmax.f32 v13, v14;
	(pc) =	sbr.rel @p0 .LBB2_8-.Ltmp3, $4  }
0xaf: {  	v16 =	vmin.f32 v19, v18;
	v13 =	vld [tilespmem:s24+$0x14020];
	v15 =	vmax.f32 v9, v15;
	v25 =	vmax.f32 v26, v14;
	v9 =	vmovc v22  }
0xb0: {  	v16 =	vmin.f32 v23, v16;
	v14 =	vld [tilespmem:s24+$0x14030];
	v19 =	vmin.f32 v9, v21;
	v18 =	vmax.f32 v25, v15;
	v12 =	vmovc v21  }
0xb1: {  	v21 =	vmin.f32 v6, v17;
	v17 =	vmin.f32 v20, v16;
	v15 =	vld [tilespmem:s24+$0x14040];
	v8 =	vmax.f32 v8, v18;
	v6 =	vmovc v24  }
0xb2: {  	s25 =	sadd.s32 $0x100, s25;
	v18 =	vmin.f32 v7, v21;
	v7 =	vmov v19;
	v16 =	vld [tilespmem:s24+$0x14050]  }
0xb3: {  	v19 =	vld [tilespmem:s24+$0x14060]  }
0xb4: {  	v20 =	vld [tilespmem:s24+$0x14070]  }
0xb5: {  	v21 =	vld [tilespmem:s24+$0x14430];
	_ =	swait.ge [sflag:s17], $0x10000;
	s23 =	simm.s32 $0x0  }
0xb6: {  	[sflag:s17] =	ssyncset.done $0x0;
	s30 =	sand.u32 $0xF800, s23;
	s23 =	sand.u32 $0x380, s23  }
0xb7: {  	[sflag:s17] =	ssyncadd.s32 $0xFFFF0000;
	s25 =	sor.u32 s23, s30  }
0xb8: {  	v22 =	vld [tilespmem:s25+$0x400]  }
0xb9: {  	v23 =	vld [tilespmem:s25+$0x410]  }
0xba: {  	v24 =	vld [tilespmem:s25+$0x420]  }
0xbb: {  	v25 =	vld [tilespmem:s25+$0x0]  }
0xbc: {  	v26 =	vld [tilespmem:s25+$0x10]  }
0xbd: {  	v27 =	vmin.f32 v10, v11;
	v17 =	vmin.f32 v17, v18;
	v10 =	vmax.f32 v10, v11;
	v28 =	vld [tilespmem:s25+$0x20]  }
0xbe: {  	v9 =	vmax.f32 v9, v12;
	v18 =	vmin.f32 v13, v14;
	v12 =	vmax.f32 v13, v14;
	v14 =	vld [tilespmem:s25+$0x40]  }
0xbf: {  	v5 =	vmin.f32 v5, v17;
	v18 =	vmin.f32 v27, v18;
	v10 =	vmax.f32 v10, v12;
	v29 =	vld [tilespmem:s25+$0x50]  }
0xc0: {  	v11 =	vld [tilespmem:s25+$0x30];
	v58 =	vmin.f32 v15, v16;
	v13 =	vmax.f32 v15, v16;
	v15 =	vmax.f32 v19, v20  }
0xc1: {  	s31 =	simm.s32 $0x100;
	s23 =	simm.s32 $0x80;
	v16 =	vmax.f32 v6, v21;
	v6 =	vmin.f32 v6, v21;
	v12 =	vmax.f32 v13, v15;
	v15 =	vld [tilespmem:s25+$0x60]  }
0xc2: {  	s24 =	sand.u32 $0xF800, s31;
	s26 =	sand.u32 $0x380, s23;
	v13 =	vmin.f32 v19, v20;
	v9 =	vmax.f32 v9, v16;
	v16 =	vld [tilespmem:s25+$0x70];
	v10 =	vmax.f32 v10, v12  }
0xc3: {  	s24 =	sor.u32 s26, s24;
	v6 =	vmin.f32 v7, v6;
	v7 =	vld [tilespmem:s25+$0x430];
	v12 =	vmin.f32 v58, v13;
	v9 =	vmax.f32 v10, v9  }
0xc4: {  	v10 =	vmin.f32 v18, v12;
	v12 =	vld [tilespmem:s24+$0x410];
	v19 =	vmin.f32 v22, v23;
	v20 =	vmin.f32 v14, v29  }
0xc5: {  	v59 =	vmax.f32 v22, v23;
	v18 =	vmax.f32 v8, v9;
	v6 =	vmin.f32 v10, v6;
	v10 =	vld [tilespmem:s24+$0x400]  }
0xc6: {  	v8 =	vmin.f32 v28, v11;
	v9 =	vld [tilespmem:s24+$0x0];
	v6 =	vmin.f32 v5, v6;
	v5 =	vmin.f32 v25, v26  }
0xc7: {  	v13 =	vmax.f32 v28, v11;
	v14 =	vmax.f32 v14, v29;
	v11 =	vld [tilespmem:s24+$0x10];
	v17 =	vmin.f32 v5, v8  }
0xc8: {  	v5 =	vld [tilespmem:s24+$0x420];
	v8 =	vmax.f32 v25, v26;
	v60 =	vmax.f32 v15, v16;
	v61 =	vmax.f32 v24, v7  }
0xc9: {  	v15 =	vmin.f32 v15, v16;
	v8 =	vmax.f32 v8, v13;
	v14 =	vmax.f32 v14, v60;
	v13 =	vld [tilespmem:s24+$0x20]  }
0xca: {  	v16 =	vmax.f32 v59, v61;
	v20 =	vmin.f32 v20, v15;
	v62 =	vmax.f32 v8, v14;
	v14 =	vld [tilespmem:s24+$0x30]  }
0xcb: {  	v63 =	vmin.f32 v24, v7;
	v15 =	vld [tilespmem:s24+$0x40];
	v17 =	vmin.f32 v17, v20;
	v16 =	vmax.f32 v62, v16  }
0xcc: {  	s25 =	simm.s32 $0x200;
	v8 =	vmin.f32 v10, v12;
	v7 =	vmax.f32 v18, v16;
	v16 =	vld [tilespmem:s24+$0x50];
	v18 =	vmin.f32 v19, v63  }
.LBB2_10:
0xcd: {  	p0 =	sne.s32 s25, $0xFF00;
	v19 =	vld [tilespmem:s24+$0x60];
	v20 =	vmin.f32 v9, v11;
	s23 =	sadd.s32 $0x80, s23;
	v17 =	vmin.f32 v17, v18  }
0xce: {  	s26 =	sand.u32 $0xF800, s25;
	s28 =	sand.u32 $0x380, s23;
	v18 =	vld [tilespmem:s24+$0x70];
	v6 =	vmin.f32 v6, v17  }
0xcf: {  	v17 =	vld [tilespmem:s24+$0x430];
	s24 =	sor.u32 s28, s26;
	v21 =	vmin.f32 v13, v14  }
0xd0: {  	v22 =	vld [tilespmem:s24+$0x400];
	v20 =	vmin.f32 v20, v21  }
0xd1: {  	v21 =	vld [tilespmem:s24+$0x410];
	v23 =	vmin.f32 v15, v16  }
0xd2: {  	v25 =	vmax.f32 v9, v11;
	v10 =	vmax.f32 v10, v12;
	v24 =	vld [tilespmem:s24+$0x420]  }
0xd3: {  	v12 =	vmax.f32 v13, v14;
	v13 =	vmax.f32 v15, v16;
	v9 =	vld [tilespmem:s24+$0x0];
	v14 =	vmax.f32 v19, v18  }
.Ltmp4:
0xd4: {  	v26 =	vmax.f32 v25, v12;
	v11 =	vld [tilespmem:s24+$0x10];
	v15 =	vmax.f32 v5, v17;
	v14 =	vmax.f32 v13, v14;
	(pc) =	sbr.rel @p0 .LBB2_10-.Ltmp4, $4  }
0xd5: {  	v16 =	vmin.f32 v19, v18;
	v13 =	vld [tilespmem:s24+$0x20];
	v15 =	vmax.f32 v10, v15;
	v25 =	vmax.f32 v26, v14;
	v10 =	vmovc v22  }
0xd6: {  	v16 =	vmin.f32 v23, v16;
	v14 =	vld [tilespmem:s24+$0x30];
	v19 =	vmin.f32 v10, v21;
	v18 =	vmax.f32 v25, v15;
	v12 =	vmovc v21  }
0xd7: {  	v21 =	vmin.f32 v5, v17;
	v17 =	vmin.f32 v20, v16;
	v15 =	vld [tilespmem:s24+$0x40];
	v7 =	vmax.f32 v7, v18;
	v5 =	vmovc v24  }
0xd8: {  	s25 =	sadd.s32 $0x100, s25;
	v18 =	vmin.f32 v8, v21;
	v8 =	vmov v19;
	v16 =	vld [tilespmem:s24+$0x50]  }
0xd9: {  	v19 =	vld [tilespmem:s24+$0x60]  }
0xda: {  	v20 =	vld [tilespmem:s24+$0x70]  }
0xdb: {  	v21 =	vld [tilespmem:s24+$0x430];
	v17 =	vmin.f32 v17, v18  }
0xdc: {  	v51 =	vmin.f32 v9, v11;
	v54 =	vmax.f32 v9, v11;
	v10 =	vmax.f32 v10, v12  }
0xdd: {  	v6 =	vmin.f32 v6, v17;
	v52 =	vmin.f32 v13, v14;
	v55 =	vmax.f32 v13, v14  }
0xde: {  	v17 =	vmin.f32 v51, v52;
	v9 =	vmax.f32 v54, v55;
	v53 =	vmin.f32 v15, v16  }
0xdf: {  	v56 =	vmax.f32 v15, v16;
	v57 =	vmax.f32 v19, v20;
	v59 =	vmin.f32 v19, v20  }
0xe0: {  	v58 =	vmax.f32 v5, v21;
	v5 =	vmin.f32 v5, v21;
	v60 =	vmin.f32 v53, v59  }
0xe1: {  	v12 =	vmax.f32 v56, v57;
	v5 =	vmin.f32 v8, v5;
	v11 =	vmin.f32 v17, v60  }
0xe2: {  	v8 =	vmax.f32 v10, v58;
	v9 =	vmax.f32 v9, v12;
	v5 =	vmin.f32 v11, v5  }
0xe3: {  	v8 =	vmax.f32 v9, v8;
	v5 =	vmin.f32 v6, v5  }
0xe4: {  	v6 =	vmax.f32 v7, v8;
	[tilespmem:$0x18000] =	vst v5  }
0xe5: {  	[tilespmem:$0x18010] =	vst v6  }
0xe6: {  	[spmem:s11] =	stream.linear.scatter [tilespmem:s18], [sflag:$0x5], $0x80, $0x38;
	[tilespmem:$0x18900] =	vst v63  }
0xe7: {  	_ =	swait.ge [sflag:s19], $0x80  }
0xe8: {  	[sflag:s19] =	ssyncset.done $0x0  }
0xe9: {  	[sflag:s19] =	ssyncadd.s32 $0xFFFFFF80  }
0xea: {  	[bflag:$0x0] =	sbarrier.arrive $0xFFFF  }
0xeb: {  	[tilespmem:s20], [sflag:$0x5] =	stream.linear.gather [spmem:s2], $0x800, $0x38;
	[tilespmem:$0x18900] =	vst v63  }
0xec: {  	_ =	swait.ge [sflag:s19], $0x800  }
0xed: {  	[sflag:s19] =	ssyncset.done $0x0  }
0xee: {  	[sflag:s19] =	ssyncadd.s32 $0xFFFFF800  }
0xef: {  	v5 =	vld [tilespmem:$0x18080]  }
0xf0: {  	v6 =	vld [tilespmem:$0x18100]  }
0xf1: {  	v7 =	vld [tilespmem:$0x18180]  }
0xf2: {  	v8 =	vld [tilespmem:$0x18200]  }
0xf3: {  	v61 =	vld [tilespmem:$0x18280]  }
0xf4: {  	v62 =	vld [tilespmem:$0x18300]  }
0xf5: {  	v63 =	vld [tilespmem:$0x18380]  }
0xf6: {  	v36 =	vld [tilespmem:$0x18400]  }
0xf7: {  	v37 =	vld [tilespmem:$0x18480]  }
0xf8: {  	v38 =	vld [tilespmem:$0x18500]  }
0xf9: {  	v39 =	vld [tilespmem:$0x18580]  }
0xfa: {  	v40 =	vld [tilespmem:$0x18600]  }
0xfb: {  	v41 =	vld [tilespmem:$0x18680]  }
0xfc: {  	v42 =	vld [tilespmem:$0x18700]  }
0xfd: {  	v43 =	vld [tilespmem:$0x18780]  }
0xfe: {  	v44 =	vld [tilespmem:$0x18800]  }
0xff: {  	v45 =	vld [tilespmem:$0x18090]  }
0x100: {  	v22 =	vld [tilespmem:$0x18110]  }
0x101: {  	v23 =	vld [tilespmem:$0x18190]  }
0x102: {  	v24 =	vld [tilespmem:$0x18210]  }
0x103: {  	v25 =	vld [tilespmem:$0x18290]  }
0x104: {  	v26 =	vld [tilespmem:$0x18310]  }
0x105: {  	v27 =	vld [tilespmem:$0x18390]  }
0x106: {  	v28 =	vld [tilespmem:$0x18410]  }
0x107: {  	v29 =	vld [tilespmem:$0x18490]  }
0x108: {  	v30 =	vld [tilespmem:$0x18510]  }
0x109: {  	v31 =	vld [tilespmem:$0x18590]  }
0x10a: {  	v32 =	vld [tilespmem:$0x18610]  }
0x10b: {  	v47 =	vld [tilespmem:$0x18790]  }
0x10c: {  	v51 =	vld [tilespmem:$0x18810];
	v5 =	vmin.f32 v5, v6  }
0x10d: {  	v33 =	vld [tilespmem:$0x18690];
	v7 =	vmin.f32 v7, v8;
	v8 =	vmin.f32 v61, v62;
	v46 =	vmin.f32 v63, v36  }
0x10e: {  	v6 =	vld [tilespmem:$0x18710];
	v48 =	vmin.f32 v37, v38;
	v49 =	vmin.f32 v39, v40;
	v50 =	vmin.f32 v41, v42  }
0x10f: {  	v52 =	vmin.f32 v43, v44;
	v54 =	vmax.f32 v23, v24;
	v55 =	vmax.f32 v25, v26  }
0x110: {  	v56 =	vmax.f32 v27, v28;
	v57 =	vmax.f32 v29, v30;
	v58 =	vmax.f32 v31, v32  }
0x111: {  	v10 =	vmax.f32 v47, v51;
	v5 =	vmin.f32 v5, v7;
	v7 =	vmin.f32 v8, v46  }
0x112: {  	v8 =	vmin.f32 v48, v49;
	v53 =	vmin.f32 v50, v52;
	v59 =	vmax.f32 v55, v56  }
0x113: {  	v5 =	vmin.f32 v5, v7;
	v7 =	vmax.f32 v45, v22;
	v6 =	vmax.f32 v33, v6  }
0x114: {  	v60 =	vmax.f32 v57, v58;
	v7 =	vmax.f32 v7, v54;
	v6 =	vmax.f32 v6, v10  }
0x115: {  	v8 =	vmin.f32 v8, v53;
	v7 =	vmax.f32 v7, v59;
	v6 =	vmax.f32 v60, v6  }
0x116: {  	v5 =	vmin.f32 v5, v8;
	v6 =	vmax.f32 v7, v6  }
0x117: {  	v7 =	vperm.xlane v5, v1;
	v8 =	vperm.xlane v6, v1;
	_ =	sdelay $0x1  }
0x118: {  	v5 =	vmin.f32 v5, v7;
	v6 =	vmax.f32 v6, v8  }
0x119: {  	v7 =	vperm.xlane v5, v2;
	v8 =	vperm.xlane v6, v2;
	_ =	sdelay $0x1  }
0x11a: {  	v5 =	vmin.f32 v5, v7;
	v6 =	vmax.f32 v6, v8  }
0x11b: {  	v7 =	vperm.xlane v5, v3;
	v8 =	vperm.xlane v6, v3;
	_ =	sdelay $0x1  }
0x11c: {  	v5 =	vmin.f32 v5, v7;
	v6 =	vmax.f32 v6, v8  }
0x11d: {  	v7 =	vperm.xlane v5, v0;
	v8 =	vperm.xlane v6, v0;
	_ =	sdelay $0x1  }
0x11e: {  	v5 =	vmin.f32 v5, v7;
	v6 =	vmax.f32 v6, v8  }
0x11f: {  	v6 =	vsub.f32 v6, v5;
	_ =	sdelay $0x1  }
0x120: {  	vm0 =	vgt.f32 v6, $0.0e+00  }
0x121: {  	v7 =	vnsel vm0, $0x3F800000, v6  }
0x122: {  	v8 =	vsub.s32 $0x7EF311C3, v7  }
0x123: {  	v61 =	vmul.f32 v8, v7;
	_ =	sdelay $0x1  }
0x124: {  	v9 =	vsub.f32 $2.000000000e+00, v61;
	_ =	sdelay $0x1  }
0x125: {  	v8 =	vmul.f32 v8, v9;
	_ =	sdelay $0x1  }
0x126: {  	v9 =	vmul.f32 v8, v7;
	_ =	sdelay $0x1  }
0x127: {  	v9 =	vsub.f32 $2.000000000e+00, v9;
	_ =	sdelay $0x1  }
0x128: {  	v8 =	vmul.f32 v9, v8;
	_ =	sdelay $0x1  }
0x129: {  	v9 =	vmul.f32 v8, v7;
	_ =	sdelay $0x1  }
0x12a: {  	v9 =	vsub.f32 $2.000000000e+00, v9;
	_ =	sdelay $0x1  }
0x12b: {  	v8 =	vmul.f32 v9, v8;
	_ =	sdelay $0x1  }
0x12c: {  	v7 =	vmul.f32 v8, v7;
	_ =	sdelay $0x1  }
0x12d: {  	v7 =	vsub.f32 $2.000000000e+00, v7;
	_ =	sdelay $0x1  }
0x12e: {  	v7 =	vmul.f32 v7, v8;
	_ =	sdelay $0x1  }
0x12f: {  	v7 =	vmul.f32 $1.600000000e+01, v7;
	_ =	sdelay $0x1  }
0x130: {  	v8 =	vmul.f32 v7, v6  }
0x131: {  	v62 =	vmul.f32 $6.250000000e-02, v6;
	v63 =	vmul.f32 $9.999997610e-01, v7  }
0x132: {  	vm14 =	vge.f32 v8, $1.600000000e+01  }
0x133: {  	v8 =	vmul.f32 $5.000000000e-01, v62;
	v7 =	vsel vm14, v63, v7  }
0x134: {  	v6 =	vmul.f32 v7, v6  }
0x135: {  	v9 =	vmul.f32 v4, v62;
	v8 =	vadd.f32 v8, v5;
	v10 =	vmul.f32 $9.999997610e-01, v7  }
0x136: {  	vm15 =	vge.f32 v6, $1.600000000e+01  }
0x137: {  	v6 =	vsel vm15, v10, v7;
	v7 =	vadd.f32 v8, v9  }
0x138: {  	s23 =	simm.s32 $0x0;
	s24 =	simm.s32 $0x0;
	s25 =	simm.s32 $0x0  }
.LBB2_12:
0x139: {  	s26 =	sand.u32 $0xF800, s24;
	s28 =	sand.u32 $0x380, s23  }
0x13a: {  	s26 =	sor.u32 s28, s26  }
0x13b: {  	v8 =	vld [tilespmem:s26+$0x0]  }
0x13c: {  	v9 =	vld [tilespmem:s26+$0x10]  }
0x13d: {  	v10 =	vld [tilespmem:s26+$0x20]  }
0x13e: {  	v11 =	vld [tilespmem:s26+$0x30]  }
0x13f: {  	v12 =	vld [tilespmem:s26+$0x40]  }
0x140: {  	v13 =	vld [tilespmem:s26+$0x50];
	_ =	sdelay $0x1  }
0x141: {  	v8 =	vsub.f32 v8, v5  }
0x142: {  	v9 =	vsub.f32 v9, v5;
	v10 =	vsub.f32 v10, v5  }
0x143: {  	v11 =	vsub.f32 v11, v5;
	v12 =	vsub.f32 v12, v5  }
0x144: {  	v13 =	vsub.f32 v13, v5;
	v8 =	vmul.f32 v8, v6;
	v9 =	vmul.f32 v9, v6  }
0x145: {  	v10 =	vmul.f32 v10, v6;
	v11 =	vmul.f32 v11, v6  }
0x146: {  	v12 =	vmul.f32 v12, v6;
	v17 =	vmul.f32 v13, v6  }
0x147: {  	v8 =	vtrunc.f32 v8;
	v9 =	vtrunc.f32 v9  }
0x148: {  	v15 =	vld [tilespmem:s26+$0x60];
	v14 =	vtrunc.f32 v10;
	v11 =	vtrunc.f32 v11  }
0x149: {  	v16 =	vld [tilespmem:s26+$0x70];
	v12 =	vtrunc.f32 v12;
	v8 =	vcvt.f32.s32 v8  }
0x14a: {  	v13 =	vld [tilespmem:s26+$0x400];
	v9 =	vcvt.f32.s32 v9;
	v11 =	vcvt.f32.s32 v11  }
0x14b: {  	v10 =	vperm.xlane v7, v8;
	v8 =	vcvt.f32.s32 v14  }
0x14c: {  	v9 =	vperm.xlane v7, v9;
	v14 =	vcvt.f32.s32 v12  }
0x14d: {  	v12 =	vtrunc.f32 v17;
	v17 =	vsub.f32 v15, v5;
	v11 =	vperm.xlane v7, v11  }
0x14e: {  	s29 =	simm.s32 $0x80;
	s30 =	smov.u32 s24;
	s28 =	sshll.u32 s25, $0x4;
	v16 =	vsub.f32 v16, v5;
	v15 =	vcvt.f32.s32 v12;
	v12 =	vld [tilespmem:s26+$0x410];
	v8 =	vperm.xlane v7, v8  }
.LBB2_13:
0x14f: {  	p0 =	sne.s32 s29, $0x780;
	v14 =	vperm.xlane v7, v14;
	v17 =	vmul.f32 v17, v6;
	v13 =	vsub.f32 v13, v5;
	v18 =	vld [tilespmem:s26+$0x420]  }
0x150: {  	v15 =	vperm.xlane v7, v15;
	v16 =	vmul.f32 v16, v6;
	v19 =	vld [tilespmem:s26+$0x430]  }
0x151: {  	v17 =	vtrunc.f32 v17;
	v13 =	vmul.f32 v13, v6  }
0x152: {  	s30 =	sadd.s32 $0x100, s30;
	v17 =	vcvt.f32.s32 v17;
	v16 =	vtrunc.f32 v16  }
0x153: {  	s1 =	sand.u32 $0x380, s29;
	s31 =	sand.u32 $0xF800, s30;
	[tilespmem:s26+$0x0] =	vst v10;
	v10 =	vcvt.f32.s32 v16;
	v13 =	vtrunc.f32 v13;
	v12 =	vsub.f32 v12, v5  }
0x154: {  	s1 =	sor.u32 s1, s31;
	[tilespmem:s26+$0x10] =	vst v9;
	v9 =	vperm.xlane v7, v17;
	v13 =	vcvt.f32.s32 v13;
	v16 =	vsub.f32 v18, v5  }
0x155: {  	v17 =	vld [tilespmem:s1+$0x0];
	[tilespmem:s26+$0x20] =	vst v8;
	v8 =	vperm.xlane v7, v10;
	v10 =	vmul.f32 v12, v6;
	v12 =	vsub.f32 v19, v5  }
0x156: {  	v18 =	vld [tilespmem:s1+$0x10];
	[tilespmem:s26+$0x30] =	vst v11;
	v11 =	vperm.xlane v7, v13;
	v13 =	vmul.f32 v16, v6  }
0x157: {  	v16 =	vld [tilespmem:s1+$0x20];
	[tilespmem:s26+$0x40] =	vst v14;
	v10 =	vtrunc.f32 v10;
	v12 =	vmul.f32 v12, v6  }
0x158: {  	[tilespmem:s26+$0x50] =	vst v15;
	v10 =	vcvt.f32.s32 v10;
	v13 =	vtrunc.f32 v13  }
0x159: {  	[tilespmem:s26+$0x60] =	vst v9;
	v9 =	vcvt.f32.s32 v13;
	v12 =	vtrunc.f32 v12  }
0x15a: {  	v13 =	vsub.f32 v17, v5;
	[tilespmem:s26+$0x70] =	vst v8;
	v8 =	vperm.xlane v7, v10;
	v10 =	vcvt.f32.s32 v12  }
0x15b: {  	v12 =	vsub.f32 v18, v5;
	v14 =	vld [tilespmem:s1+$0x30];
	[tilespmem:s26+$0x400] =	vst v11;
	v9 =	vperm.xlane v7, v9  }
0x15c: {  	v11 =	vmul.f32 v13, v6;
	v13 =	vsub.f32 v16, v5;
	v15 =	vld [tilespmem:s1+$0x40];
	[tilespmem:s26+$0x410] =	vst v8;
	v8 =	vperm.xlane v7, v10  }
0x15d: {  	v10 =	vmul.f32 v12, v6;
	v12 =	vld [tilespmem:s1+$0x50];
	[tilespmem:s26+$0x420] =	vst v9  }
0x15e: {  	v9 =	vtrunc.f32 v11;
	v11 =	vmul.f32 v13, v6;
	[tilespmem:s26+$0x430] =	vst v8;
	s26 =	smov.u32 s1  }
0x15f: {  	v8 =	vcvt.f32.s32 v9;
	v9 =	vtrunc.f32 v10  }
0x160: {  	v9 =	vcvt.f32.s32 v9;
	v11 =	vtrunc.f32 v11;
	v13 =	vsub.f32 v14, v5  }
0x161: {  	v10 =	vperm.xlane v7, v8;
	v8 =	vcvt.f32.s32 v11;
	v11 =	vsub.f32 v15, v5;
	v15 =	vld [tilespmem:s26+$0x60]  }
0x162: {  	v9 =	vperm.xlane v7, v9;
	v14 =	vmul.f32 v13, v6;
	v12 =	vsub.f32 v12, v5;
	v16 =	vld [tilespmem:s26+$0x70]  }
.Ltmp5:
0x163: {  	v8 =	vperm.xlane v7, v8;
	v11 =	vmul.f32 v11, v6;
	v13 =	vld [tilespmem:s26+$0x400];
	(pc) =	sbr.rel @p0 .LBB2_13-.Ltmp5, $4  }
0x164: {  	v14 =	vtrunc.f32 v14;
	v12 =	vmul.f32 v12, v6  }
0x165: {  	v18 =	vcvt.f32.s32 v14;
	v11 =	vtrunc.f32 v11  }
0x166: {  	v14 =	vcvt.f32.s32 v11;
	v12 =	vtrunc.f32 v12;
	v17 =	vsub.f32 v15, v5  }
0x167: {  	s29 =	sadd.s32 $0x80, s29;
	v11 =	vperm.xlane v7, v18;
	v15 =	vcvt.f32.s32 v12;
	v16 =	vsub.f32 v16, v5;
	v12 =	vld [tilespmem:s26+$0x410]  }
0x168: {  	v14 =	vperm.xlane v7, v14;
	v17 =	vmul.f32 v17, v6;
	v13 =	vsub.f32 v13, v5;
	v18 =	vld [tilespmem:s26+$0x420]  }
0x169: {  	v19 =	vld [tilespmem:s26+$0x430];
	v15 =	vperm.xlane v7, v15;
	v16 =	vmul.f32 v16, v6  }
0x16a: {  	v17 =	vtrunc.f32 v17;
	v13 =	vmul.f32 v13, v6  }
0x16b: {  	v17 =	vcvt.f32.s32 v17;
	v16 =	vtrunc.f32 v16  }
0x16c: {  	[tilespmem:s26+$0x0] =	vst v10;
	v55 =	vcvt.f32.s32 v16;
	v13 =	vtrunc.f32 v13;
	v12 =	vsub.f32 v12, v5  }
0x16d: {  	[tilespmem:s26+$0x10] =	vst v9;
	v56 =	vperm.xlane v7, v17;
	v13 =	vcvt.f32.s32 v13;
	v57 =	vsub.f32 v18, v5  }
0x16e: {  	[tilespmem:s26+$0x20] =	vst v8;
	v59 =	vsub.f32 v19, v5;
	v8 =	vperm.xlane v7, v55;
	v58 =	vmul.f32 v12, v6  }
0x16f: {  	[tilespmem:s26+$0x30] =	vst v11;
	v60 =	vperm.xlane v7, v13;
	v61 =	vmul.f32 v57, v6  }
0x170: {  	[tilespmem:s26+$0x40] =	vst v14;
	v12 =	vmul.f32 v59, v6;
	v10 =	vtrunc.f32 v58  }
0x171: {  	[tilespmem:s26+$0x50] =	vst v15;
	v10 =	vcvt.f32.s32 v10;
	v13 =	vtrunc.f32 v61  }
0x172: {  	s30 =	sshll.u32 s25, $0xC;
	s25 =	sadd.s32 $0x1, s25;
	[tilespmem:s26+$0x60] =	vst v56;
	v12 =	vtrunc.f32 v12;
	v62 =	vcvt.f32.s32 v13  }
0x173: {  	p0 =	sne.s32 s25, $0x10;
	[tilespmem:s26+$0x70] =	vst v8;
	v63 =	vcvt.f32.s32 v12;
	v8 =	vperm.xlane v7, v10  }
.Ltmp6:
0x174: {  	[tilespmem:s26+$0x400] =	vst v60;
	v9 =	vperm.xlane v7, v62;
	(pc) =	sbr.rel @p0 .LBB2_12-.Ltmp6, $4  }
0x175: {  	s1 =	sadd.s32 s5, s28;
	[tilespmem:s26+$0x410] =	vst v8;
	v8 =	vperm.xlane v7, v63  }
0x176: {  	s1 =	sshll.u32 s1, $0x5;
	[tilespmem:s26+$0x420] =	vst v9  }
0x177: {  	s24 =	sadd.s32 $0x1000, s24;
	s31 =	sand.u32 $0x3FFFF000, s30;
	s1 =	sadd.s32 s0, s1;
	[tilespmem:s26+$0x430] =	vst v8  }
0x178: {  	[hbm4b:s1+s3] =	stream.linear.scatter [tilespmem:s31], [sflag:$0x4], $0x1000, $0x38;
	[tilespmem:$0x18900] =	vst v63  }
0x179: {  	_ =	swait.ge [sflag:s21], $0x1000  }
0x17a: {  	[sflag:s21] =	ssyncset.done $0x0  }
0x17b: {  	[sflag:s21] =	ssyncadd.s32 $0xFFFFF000  }
0x17c: {  	_ =	swait.ge [sflag:s21], $0x1000  }
0x17d: {  	[sflag:s21] =	ssyncset.done $0x0  }
0x17e: {  	[sflag:s21] =	ssyncadd.s32 $0xFFFFF000  }
0x17f: {  	_ =	swait.ge [sflag:s21], $0x1000  }
0x180: {  	[sflag:s21] =	ssyncset.done $0x0  }
0x181: {  	[sflag:s21] =	ssyncadd.s32 $0xFFFFF000  }
0x182: {  	_ =	swait.ge [sflag:s21], $0x1000  }
0x183: {  	[sflag:s21] =	ssyncset.done $0x0  }
0x184: {  	[sflag:s21] =	ssyncadd.s32 $0xFFFFF000  }
0x185: {  	_ =	swait.ge [sflag:s21], $0x1000  }
0x186: {  	[sflag:s21] =	ssyncset.done $0x0  }
0x187: {  	[sflag:s21] =	ssyncadd.s32 $0xFFFFF000  }
0x188: {  	_ =	swait.ge [sflag:s21], $0x1000  }
0x189: {  	[sflag:s21] =	ssyncset.done $0x0  }
0x18a: {  	[sflag:s21] =	ssyncadd.s32 $0xFFFFF000  }
0x18b: {  	_ =	swait.ge [sflag:s21], $0x1000  }
0x18c: {  	[sflag:s21] =	ssyncset.done $0x0  }
0x18d: {  	[sflag:s21] =	ssyncadd.s32 $0xFFFFF000  }
0x18e: {  	_ =	swait.ge [sflag:s21], $0x1000  }
0x18f: {  	[sflag:s21] =	ssyncset.done $0x0  }
0x190: {  	[sflag:s21] =	ssyncadd.s32 $0xFFFFF000  }
0x191: {  	_ =	swait.ge [sflag:s21], $0x1000  }
0x192: {  	[sflag:s21] =	ssyncset.done $0x0  }
0x193: {  	[sflag:s21] =	ssyncadd.s32 $0xFFFFF000  }
0x194: {  	_ =	swait.ge [sflag:s21], $0x1000  }
0x195: {  	[sflag:s21] =	ssyncset.done $0x0  }
0x196: {  	[sflag:s21] =	ssyncadd.s32 $0xFFFFF000  }
0x197: {  	_ =	swait.ge [sflag:s21], $0x1000  }
0x198: {  	[sflag:s21] =	ssyncset.done $0x0  }
0x199: {  	[sflag:s21] =	ssyncadd.s32 $0xFFFFF000  }
0x19a: {  	_ =	swait.ge [sflag:s21], $0x1000  }
0x19b: {  	[sflag:s21] =	ssyncset.done $0x0  }
0x19c: {  	[sflag:s21] =	ssyncadd.s32 $0xFFFFF000  }
0x19d: {  	_ =	swait.ge [sflag:s21], $0x1000  }
0x19e: {  	[sflag:s21] =	ssyncset.done $0x0  }
0x19f: {  	[sflag:s21] =	ssyncadd.s32 $0xFFFFF000  }
0x1a0: {  	_ =	swait.ge [sflag:s21], $0x1000  }
0x1a1: {  	[sflag:s21] =	ssyncset.done $0x0  }
0x1a2: {  	s22 =	sadd.s32 $0x1, s22;
	[sflag:s21] =	ssyncadd.s32 $0xFFFFF000  }
0x1a3: {  	p0 =	sne.s32 s22, s12;
	_ =	swait.ge [sflag:s21], $0x1000  }
.Ltmp7:
0x1a4: {  	[sflag:s21] =	ssyncset.done $0x0;
	(pc) =	sbr.rel @p0 .LBB2_1-.Ltmp7, $4  }
0x1a5: {  	[sflag:s21] =	ssyncadd.s32 $0xFFFFF000  }
0x1a6: {  	_ =	swait.ge [sflag:s21], $0x1000  }
0x1a7: {  	[sflag:s21] =	ssyncset.done $0x0  }
0x1a8: {  	[sflag:s21] =	ssyncadd.s32 $0xFFFFF000  }
0x1a9: {  	_ =	sfence.sel $0x180000  }
0x1aa: {  	[bflag:$0x0] =	sbarrier.arrive $0xFFFF  }
0x1ab: {  	_ =	strace $0x90000047  }
0x1ac: {  	[bflag:$0x2] =	sbarrier.arrive $0xFFFF  }
0x1ad: {  	p0 =	sne.s32 s4, $0x0;
	s0 =	rddreg [dreg:$0x3]  }
0x1ae: {  	s0 =	sadd.s32 @!p0 $0x100000, s0  }
0x1af: {  	[sflag:s0] =	ssyncadd.tile.s32 @!p0 $0x1;
	_ =	shalt  }
.Lfunc_end2:
_tile_overlayer_lowered:
.L_overlay_start_2:
0x1b0: {  	(tag) =	ssettag $0x2  }
0x1b1: {  	s0 =	rddreg [dreg:$0x0];
	s2 =	stileid.u32  }
0x1b2: {  	s1 =	rddreg [dreg:$0x1];
	p0 =	sne.s32 s2, $0x0  }
0x1b3: {  	s3 =	rddreg [dreg:$0x2];
	[bflag:$0x3] =	sbarrier.arrive $0xFFFF;
	s2 =	simm.s32 @!p0 $0x1C05  }
0x1b4: {  	[timem:s3], [sflag:s2] =	dma.local @!p0 [hbm:s0], s1  }
0x1b5: {  	s0 =	simm.s32 @!p0 $0x5  }
0x1b6: {  	_ =	swait.ge @!p0 [sflag:s0], s1  }
0x1b7: {  	s1 =	ssub.s32 @!p0 $0x0, s1;
	[sflag:s0] =	ssyncset.done @!p0 $0x0  }
0x1b8: {  	[sflag:s0] =	ssyncadd.s32 @!p0 s1  }
0x1b9: {  	[bflag:$0x3] =	sbarrier.arrive $0xFFFF  }
0x1ba: {  	_ =	shalt  }

</sc_bundles>
